<compile_context>
chip_gen: v7x
topology: tpu7x:2x2x1
jax: 0.10.2.dev20260603
libtpu: 0.0.44.dev20260713+nightly
codegen_flags: <defaults>
</compile_context>

<pallas_src>
import functools

import jax
import jax.numpy as jnp
from jax import lax
from jax.experimental import pallas as pl
from jax.experimental.pallas import tpu as pltpu
from jax.experimental.pallas import tpu_sc as plsc

_NUM_COLLISIONS = 1024
_SHIFT = 10
_MASK = _NUM_COLLISIONS - 1
_EMBED_DIM = 64
_ROW = 128
_BATCH = 16384
_NC = 2
_NS = 16
_NW = _NC * _NS
_BPW = _BATCH // _NW
_LANES = 16
_CHUNK = 128
_NCH = _BPW // _CHUNK


@functools.cache
def _build():
    @functools.partial(
        pl.kernel,
        out_type=jax.ShapeDtypeStruct((_BATCH, _EMBED_DIM), jnp.float32),
        mesh=plsc.VectorSubcoreMesh(core_axis_name="c", subcore_axis_name="s"),
        scratch_types=[
            pltpu.VMEM((_BPW,), jnp.int32),
            pltpu.VMEM((_NCH, _CHUNK), jnp.int32),
            pltpu.VMEM((_NCH, _CHUNK), jnp.int32),
            pltpu.VMEM((2, _CHUNK, _ROW), jnp.float32),
            pltpu.VMEM((2, _CHUNK, _ROW), jnp.float32),
            pltpu.VMEM((2, _CHUNK, _EMBED_DIM), jnp.float32),
            pltpu.SemaphoreType.DMA,
            pltpu.SemaphoreType.DMA,
            pltpu.SemaphoreType.DMA,
            pltpu.SemaphoreType.DMA,
            pltpu.SemaphoreType.DMA,
            pltpu.SemaphoreType.DMA,
        ],
    )
    def _qr_embed(idx_hbm, wq_hbm, wr_hbm, out_hbm,
                  idx_v, q_v, r_v, bq, br, bo,
                  sgq0, sgq1, sgr0, sgr1, sst0, sst1):
        wid = lax.axis_index("s") * _NC + lax.axis_index("c")
        base = wid * _BPW
        pltpu.sync_copy(idx_hbm.at[pl.ds(base, _BPW)], idx_v)

        sem_gq = (sgq0, sgq1)
        sem_gr = (sgr0, sgr1)
        sem_st = (sst0, sst1)

        def split(c):
            def body(i, carry):
                sl = pl.ds(i * _LANES, _LANES)
                v = idx_v[pl.ds(c * _CHUNK + i * _LANES, _LANES)]
                q_v[c, sl] = lax.shift_right_logical(v, _SHIFT)
                r_v[c, sl] = lax.bitwise_and(v, _MASK)
                return carry
            lax.fori_loop(0, _CHUNK // _LANES, body, 0)

        def start_gathers(c):
            b = c % 2
            cq = pltpu.async_copy(wq_hbm.at[q_v.at[c]], bq.at[b], sem_gq[b])
            cr = pltpu.async_copy(wr_hbm.at[r_v.at[c]], br.at[b], sem_gr[b])
            return cq, cr

        split(0)
        pending = {0: start_gathers(0)}
        stores = {}

        for c in range(_NCH):
            b = c % 2
            if c + 1 < _NCH:
                if c - 1 >= 0:
                    stores.pop(c - 1).wait()
                split(c + 1)
                pending[c + 1] = start_gathers(c + 1)
            cq, cr = pending.pop(c)
            cq.wait()
            cr.wait()

            def mul_body(row, carry):
                for j in range(_EMBED_DIM // _LANES):
                    sl = pl.ds(j * _LANES, _LANES)
                    bo[b, row, sl] = bq[b, row, sl] * br[b, row, sl]
                return carry

            lax.fori_loop(0, _CHUNK, mul_body, 0)

            stores[c] = pltpu.async_copy(
                bo.at[b], out_hbm.at[pl.ds(base + c * _CHUNK, _CHUNK)],
                sem_st[b])

        for c in sorted(stores):
            stores.pop(c).wait()

    return _qr_embed


def kernel(input, weight_q, weight_r):
    wq = jnp.pad(weight_q, ((0, 0), (0, _ROW - _EMBED_DIM)))
    wr = jnp.pad(weight_r, ((0, 0), (0, _ROW - _EMBED_DIM)))
    return _build()(input, wq, wr)

# --- scband reference (transcript-rebuilt; emitter-appended) ---
"""Pipeline reference for scband-qrembedding-40226663694754 (READ-ONLY COPY).

The authoritative reference and input builder live on the scoring server;
editing this copy changes nothing except your own understanding.
"""

import jax, jax.numpy as jnp
import numpy as np

NUM_CATEGORIES = 1000000
NUM_COLLISIONS = 1024
EMBED_DIM = 64
NUM_EMB_Q = int(np.ceil(NUM_CATEGORIES / NUM_COLLISIONS))  # 977
NUM_EMB_R = NUM_COLLISIONS  # 1024
BATCH = 16384


def setup_inputs(seed: int = 0) -> dict:
    key = jax.random.key(seed)
    k0, k1, k2 = jax.random.split(key, 3)
    inp = jax.random.randint(k0, (BATCH,), 0, NUM_CATEGORIES, dtype=jnp.int64 if jax.config.jax_enable_x64 else jnp.int32).astype(jnp.int32)
    lo = float(np.sqrt(1.0 / NUM_CATEGORIES))
    weight_q = jax.random.uniform(k1, (NUM_EMB_Q, EMBED_DIM), dtype=jnp.float32, minval=lo, maxval=1.0)
    weight_r = jax.random.uniform(k2, (NUM_EMB_R, EMBED_DIM), dtype=jnp.float32, minval=lo, maxval=1.0)
    return {"input": inp, "weight_q": weight_q, "weight_r": weight_r}


def reference(input, weight_q, weight_r):
    # QR trick: split index into quotient and remainder
    input_q = input // NUM_COLLISIONS
    input_r = jnp.remainder(input, NUM_COLLISIONS)
    embed_q = jnp.take(weight_q, input_q, axis=0)
    embed_r = jnp.take(weight_r, input_r, axis=0)
    # operation == 'mult'
    embed = embed_q * embed_r
    return embed

if __name__ == "__main__":
    import jax
    _d = setup_inputs()
    print(jax.jit(kernel)(*tuple(_d.values())))

</pallas_src>

<mosaic_0001>
#map = affine_map<(d0, d1) -> (0)>
#map1 = affine_map<(d0, d1) -> (0, 0)>
module attributes {stable_mosaic.version = 14 : i64} {
  func.func @_qr_embed(%arg0: i32, %arg1: i32, %arg2: memref<16384xi32, #tpu.memory_space<hbm>>, %arg3: memref<977x128xf32, #tpu.memory_space<hbm>>, %arg4: memref<1024x128xf32, #tpu.memory_space<hbm>>, %arg5: memref<16384x64xf32, #tpu.memory_space<hbm>>, %arg6: memref<512xi32, #tpu.memory_space<vmem>>, %arg7: memref<4x128xi32, #tpu.memory_space<vmem>>, %arg8: memref<4x128xi32, #tpu.memory_space<vmem>>, %arg9: memref<2x128x128xf32, #tpu.memory_space<vmem>>, %arg10: memref<2x128x128xf32, #tpu.memory_space<vmem>>, %arg11: memref<2x128x64xf32, #tpu.memory_space<vmem>>, %arg12: memref<!tpu.dma_semaphore, #tpu.memory_space<semaphore_mem>>, %arg13: memref<!tpu.dma_semaphore, #tpu.memory_space<semaphore_mem>>, %arg14: memref<!tpu.dma_semaphore, #tpu.memory_space<semaphore_mem>>, %arg15: memref<!tpu.dma_semaphore, #tpu.memory_space<semaphore_mem>>, %arg16: memref<!tpu.dma_semaphore, #tpu.memory_space<semaphore_mem>>, %arg17: memref<!tpu.dma_semaphore, #tpu.memory_space<semaphore_mem>>) attributes {dimension_semantics = [#tpu.dimension_semantics<core_parallel>, #tpu.dimension_semantics<subcore_parallel>], iteration_bounds = array<i64: 2, 16>, scalar_prefetch = 0 : i64, scratch_operands = 12 : i64, tpu.core_type = #tpu.core_type<sc_vector_subcore>, window_params = [{transform_indices = #map}, {transform_indices = #map1}, {transform_indices = #map1}, {transform_indices = #map1}]} {
    %mul3A = arith.constant 2 : i32
    %mul3A_0 = arith.muli %arg1, %mul3A : i32
    %add3A = arith.addi %mul3A_0, %arg0 : i32
    %mul3A_1 = arith.constant 512 : i32
    %mul3A_2 = arith.muli %add3A, %mul3A_1 : i32
    "tpu.region"() ({
      %run_scoped3A = tpu.sem_alloc : memref<!tpu.dma_semaphore, #tpu.memory_space<semaphore_mem>>
      %dma_start3A_352 = tpu.memref_slice %arg2[%mul3A_2] : memref<16384xi32, #tpu.memory_space<hbm>> -> memref<512xi32, #tpu.memory_space<hbm>>
      %dma_start3A_353 = tpu.memref_slice %arg2[%mul3A_2] : memref<16384xi32, #tpu.memory_space<hbm>> -> memref<512xi32, #tpu.memory_space<hbm>>
      tpu.enqueue_dma source(%dma_start3A_353 : memref<512xi32, #tpu.memory_space<hbm>>) target(%arg6 : memref<512xi32, #tpu.memory_space<vmem>>) target_semaphore(%run_scoped3A : memref<!tpu.dma_semaphore, #tpu.memory_space<semaphore_mem>>)
      %dma_wait3A_354 = tpu.memref_slice %arg2[%mul3A_2] : memref<16384xi32, #tpu.memory_space<hbm>> -> memref<512xi32, #tpu.memory_space<hbm>>
      %dma_wait3A_355 = tpu.memref_slice %arg2[%mul3A_2] : memref<16384xi32, #tpu.memory_space<hbm>> -> memref<512xi32, #tpu.memory_space<hbm>>
      tpu.wait_dma2 semaphore(%run_scoped3A : memref<!tpu.dma_semaphore, #tpu.memory_space<semaphore_mem>>) src(%dma_wait3A_355 : memref<512xi32, #tpu.memory_space<hbm>>) dst(%arg6 : memref<512xi32, #tpu.memory_space<vmem>>)
      tpu.yield
    }) : () -> ()
    %scan3A = arith.constant 0 : i32
    %scan3A_3 = arith.constant 0 : i32
    %scan3A_4 = arith.constant 8 : i32
    %scan3A_5 = arith.addi %scan3A_3, %scan3A_4 : i32
    %scan3A_6 = arith.constant 1 : i32
    scf.for %scan3A_352 = %scan3A_3 to %scan3A_5 step %scan3A_6  : i32 {
      %mul3A_353 = arith.constant 16 : i32
      %mul3A_354 = arith.muli %scan3A_352, %mul3A_353 : i32
      %mul3A_355 = arith.constant 16 : i32
      %mul3A_356 = arith.muli %scan3A_352, %mul3A_355 : i32
      %add3A_357 = arith.constant 0 : i32
      %add3A_358 = arith.addi %add3A_357, %mul3A_356 : i32
      %get3A = arith.index_cast %add3A_358 : i32 to index
      %get3A_359 = tpu.vector_load %arg6[%get3A] {strides = array<i32>} : memref<512xi32, #tpu.memory_space<vmem>>, vector<16xi32>,
      %get3A_360 = vector.shape_cast %get3A_359 : vector<16xi32> to vector<16xi32>
      %shift_right_logical3A = arith.constant 10 : i32
      %shift_right_logical3A_361 = vector.broadcast %shift_right_logical3A : i32 to vector<16xi32>
      %shift_right_logical3A_362 = arith.shrui %get3A_360, %shift_right_logical3A_361 : vector<16xi32>
      %swap3A = arith.constant 0 : i32
      %swap3A_363 = arith.index_cast %swap3A : i32 to index
      %swap3A_364 = arith.index_cast %mul3A_354 : i32 to index
      %swap3A_365 = tpu.vector_load %arg7[%swap3A_363, %swap3A_364] {strides = array<i32>} : memref<4x128xi32, #tpu.memory_space<vmem>>, vector<1x16xi32>,
      %swap3A_366 = vector.shape_cast %swap3A_365 : vector<1x16xi32> to vector<16xi32>
      %swap3A_367 = vector.shape_cast %shift_right_logical3A_362 : vector<16xi32> to vector<1x16xi32>
      tpu.vector_store %arg7[%swap3A_363, %swap3A_364], %swap3A_367 {strides = array<i32>} : memref<4x128xi32, #tpu.memory_space<vmem>>, vector<1x16xi32>,
      %and3A = arith.constant 1023 : i32
      %and3A_368 = vector.broadcast %and3A : i32 to vector<16xi32>
      %and3A_369 = arith.andi %get3A_360, %and3A_368 : vector<16xi32>
      %swap3A_370 = arith.constant 0 : i32
      %swap3A_371 = arith.index_cast %swap3A_370 : i32 to index
      %swap3A_372 = arith.index_cast %mul3A_354 : i32 to index
      %swap3A_373 = tpu.vector_load %arg8[%swap3A_371, %swap3A_372] {strides = array<i32>} : memref<4x128xi32, #tpu.memory_space<vmem>>, vector<1x16xi32>,
      %swap3A_374 = vector.shape_cast %swap3A_373 : vector<1x16xi32> to vector<16xi32>
      %swap3A_375 = vector.shape_cast %and3A_369 : vector<16xi32> to vector<1x16xi32>
      tpu.vector_store %arg8[%swap3A_371, %swap3A_372], %swap3A_375 {strides = array<i32>} : memref<4x128xi32, #tpu.memory_space<vmem>>, vector<1x16xi32>,
    }
    %scan3A_7 = arith.constant 8 : i32
    %dma_start3A = arith.constant 0 : i32
    %dma_start3A_8 = arith.constant 0 : i32
    %dma_start3A_9 = arith.constant 0 : i32
    %dma_start3A_10 = arith.constant 0 : i32
    %dma_start3A_11 = tpu.memref_slice %arg9[%dma_start3A_8, %dma_start3A_9, %dma_start3A_10] : memref<2x128x128xf32, #tpu.memory_space<vmem>> -> memref<1x128x128xf32, #tpu.memory_space<vmem>>
    %dma_start3A_12 = tpu.memref_squeeze %dma_start3A_11 : memref<1x128x128xf32, #tpu.memory_space<vmem>> -> memref<128x128xf32, #tpu.memory_space<vmem>>
    %dma_start3A_13 = arith.constant 0 : i32
    %dma_start3A_14 = tpu.memref_slice %arg7[%dma_start3A, %dma_start3A_13] : memref<4x128xi32, #tpu.memory_space<vmem>> -> memref<1x128xi32, #tpu.memory_space<vmem>>
    %dma_start3A_15 = tpu.memref_squeeze %dma_start3A_14 : memref<1x128xi32, #tpu.memory_space<vmem>> -> memref<128xi32, #tpu.memory_space<vmem>>
    %dma_start3A_16 = arith.constant 0 : i32
    %dma_start3A_17 = arith.constant 0 : i32
    %dma_start3A_18 = tpu.memref_slice %arg3[%dma_start3A_16, %dma_start3A_17] : memref<977x128xf32, #tpu.memory_space<hbm>> -> memref<977x128xf32, #tpu.memory_space<hbm>>
    tpu.enqueue_indirect_dma source(%dma_start3A_18 : memref<977x128xf32, #tpu.memory_space<hbm>>) target(%dma_start3A_12 : memref<128x128xf32, #tpu.memory_space<vmem>>) offsets(%dma_start3A_15 : memref<128xi32, #tpu.memory_space<vmem>>) semaphore(%arg12 : memref<!tpu.dma_semaphore, #tpu.memory_space<semaphore_mem>>)
    %dma_start3A_19 = arith.constant 0 : i32
    %dma_start3A_20 = arith.constant 0 : i32
    %dma_start3A_21 = arith.constant 0 : i32
    %dma_start3A_22 = arith.constant 0 : i32
    %dma_start3A_23 = tpu.memref_slice %arg10[%dma_start3A_20, %dma_start3A_21, %dma_start3A_22] : memref<2x128x128xf32, #tpu.memory_space<vmem>> -> memref<1x128x128xf32, #tpu.memory_space<vmem>>
    %dma_start3A_24 = tpu.memref_squeeze %dma_start3A_23 : memref<1x128x128xf32, #tpu.memory_space<vmem>> -> memref<128x128xf32, #tpu.memory_space<vmem>>
    %dma_start3A_25 = arith.constant 0 : i32
    %dma_start3A_26 = tpu.memref_slice %arg8[%dma_start3A_19, %dma_start3A_25] : memref<4x128xi32, #tpu.memory_space<vmem>> -> memref<1x128xi32, #tpu.memory_space<vmem>>
    %dma_start3A_27 = tpu.memref_squeeze %dma_start3A_26 : memref<1x128xi32, #tpu.memory_space<vmem>> -> memref<128xi32, #tpu.memory_space<vmem>>
    %dma_start3A_28 = arith.constant 0 : i32
    %dma_start3A_29 = arith.constant 0 : i32
    %dma_start3A_30 = tpu.memref_slice %arg4[%dma_start3A_28, %dma_start3A_29] : memref<1024x128xf32, #tpu.memory_space<hbm>> -> memref<1024x128xf32, #tpu.memory_space<hbm>>
    tpu.enqueue_indirect_dma source(%dma_start3A_30 : memref<1024x128xf32, #tpu.memory_space<hbm>>) target(%dma_start3A_24 : memref<128x128xf32, #tpu.memory_space<vmem>>) offsets(%dma_start3A_27 : memref<128xi32, #tpu.memory_space<vmem>>) semaphore(%arg14 : memref<!tpu.dma_semaphore, #tpu.memory_space<semaphore_mem>>)
    %scan3A_31 = arith.constant 0 : i32
    %scan3A_32 = arith.constant 0 : i32
    %scan3A_33 = arith.constant 8 : i32
    %scan3A_34 = arith.addi %scan3A_32, %scan3A_33 : i32
    %scan3A_35 = arith.constant 1 : i32
    scf.for %scan3A_352 = %scan3A_32 to %scan3A_34 step %scan3A_35  : i32 {
      %mul3A_353 = arith.constant 16 : i32
      %mul3A_354 = arith.muli %scan3A_352, %mul3A_353 : i32
      %mul3A_355 = arith.constant 16 : i32
      %mul3A_356 = arith.muli %scan3A_352, %mul3A_355 : i32
      %add3A_357 = arith.constant 128 : i32
      %add3A_358 = arith.addi %add3A_357, %mul3A_356 : i32
      %get3A = arith.index_cast %add3A_358 : i32 to index
      %get3A_359 = tpu.vector_load %arg6[%get3A] {strides = array<i32>} : memref<512xi32, #tpu.memory_space<vmem>>, vector<16xi32>,
      %get3A_360 = vector.shape_cast %get3A_359 : vector<16xi32> to vector<16xi32>
      %shift_right_logical3A = arith.constant 10 : i32
      %shift_right_logical3A_361 = vector.broadcast %shift_right_logical3A : i32 to vector<16xi32>
      %shift_right_logical3A_362 = arith.shrui %get3A_360, %shift_right_logical3A_361 : vector<16xi32>
      %swap3A = arith.constant 1 : i32
      %swap3A_363 = arith.index_cast %swap3A : i32 to index
      %swap3A_364 = arith.index_cast %mul3A_354 : i32 to index
      %swap3A_365 = tpu.vector_load %arg7[%swap3A_363, %swap3A_364] {strides = array<i32>} : memref<4x128xi32, #tpu.memory_space<vmem>>, vector<1x16xi32>,
      %swap3A_366 = vector.shape_cast %swap3A_365 : vector<1x16xi32> to vector<16xi32>
      %swap3A_367 = vector.shape_cast %shift_right_logical3A_362 : vector<16xi32> to vector<1x16xi32>
      tpu.vector_store %arg7[%swap3A_363, %swap3A_364], %swap3A_367 {strides = array<i32>} : memref<4x128xi32, #tpu.memory_space<vmem>>, vector<1x16xi32>,
      %and3A = arith.constant 1023 : i32
      %and3A_368 = vector.broadcast %and3A : i32 to vector<16xi32>
      %and3A_369 = arith.andi %get3A_360, %and3A_368 : vector<16xi32>
      %swap3A_370 = arith.constant 1 : i32
      %swap3A_371 = arith.index_cast %swap3A_370 : i32 to index
      %swap3A_372 = arith.index_cast %mul3A_354 : i32 to index
      %swap3A_373 = tpu.vector_load %arg8[%swap3A_371, %swap3A_372] {strides = array<i32>} : memref<4x128xi32, #tpu.memory_space<vmem>>, vector<1x16xi32>,
      %swap3A_374 = vector.shape_cast %swap3A_373 : vector<1x16xi32> to vector<16xi32>
      %swap3A_375 = vector.shape_cast %and3A_369 : vector<16xi32> to vector<1x16xi32>
      tpu.vector_store %arg8[%swap3A_371, %swap3A_372], %swap3A_375 {strides = array<i32>} : memref<4x128xi32, #tpu.memory_space<vmem>>, vector<1x16xi32>,
    }
    %scan3A_36 = arith.constant 8 : i32
    %dma_start3A_37 = arith.constant 1 : i32
    %dma_start3A_38 = arith.constant 1 : i32
    %dma_start3A_39 = arith.constant 0 : i32
    %dma_start3A_40 = arith.constant 0 : i32
    %dma_start3A_41 = tpu.memref_slice %arg9[%dma_start3A_38, %dma_start3A_39, %dma_start3A_40] : memref<2x128x128xf32, #tpu.memory_space<vmem>> -> memref<1x128x128xf32, #tpu.memory_space<vmem>>
    %dma_start3A_42 = tpu.memref_squeeze %dma_start3A_41 : memref<1x128x128xf32, #tpu.memory_space<vmem>> -> memref<128x128xf32, #tpu.memory_space<vmem>>
    %dma_start3A_43 = arith.constant 0 : i32
    %dma_start3A_44 = tpu.memref_slice %arg7[%dma_start3A_37, %dma_start3A_43] : memref<4x128xi32, #tpu.memory_space<vmem>> -> memref<1x128xi32, #tpu.memory_space<vmem>>
    %dma_start3A_45 = tpu.memref_squeeze %dma_start3A_44 : memref<1x128xi32, #tpu.memory_space<vmem>> -> memref<128xi32, #tpu.memory_space<vmem>>
    %dma_start3A_46 = arith.constant 0 : i32
    %dma_start3A_47 = arith.constant 0 : i32
    %dma_start3A_48 = tpu.memref_slice %arg3[%dma_start3A_46, %dma_start3A_47] : memref<977x128xf32, #tpu.memory_space<hbm>> -> memref<977x128xf32, #tpu.memory_space<hbm>>
    tpu.enqueue_indirect_dma source(%dma_start3A_48 : memref<977x128xf32, #tpu.memory_space<hbm>>) target(%dma_start3A_42 : memref<128x128xf32, #tpu.memory_space<vmem>>) offsets(%dma_start3A_45 : memref<128xi32, #tpu.memory_space<vmem>>) semaphore(%arg13 : memref<!tpu.dma_semaphore, #tpu.memory_space<semaphore_mem>>)
    %dma_start3A_49 = arith.constant 1 : i32
    %dma_start3A_50 = arith.constant 1 : i32
    %dma_start3A_51 = arith.constant 0 : i32
    %dma_start3A_52 = arith.constant 0 : i32
    %dma_start3A_53 = tpu.memref_slice %arg10[%dma_start3A_50, %dma_start3A_51, %dma_start3A_52] : memref<2x128x128xf32, #tpu.memory_space<vmem>> -> memref<1x128x128xf32, #tpu.memory_space<vmem>>
    %dma_start3A_54 = tpu.memref_squeeze %dma_start3A_53 : memref<1x128x128xf32, #tpu.memory_space<vmem>> -> memref<128x128xf32, #tpu.memory_space<vmem>>
    %dma_start3A_55 = arith.constant 0 : i32
    %dma_start3A_56 = tpu.memref_slice %arg8[%dma_start3A_49, %dma_start3A_55] : memref<4x128xi32, #tpu.memory_space<vmem>> -> memref<1x128xi32, #tpu.memory_space<vmem>>
    %dma_start3A_57 = tpu.memref_squeeze %dma_start3A_56 : memref<1x128xi32, #tpu.memory_space<vmem>> -> memref<128xi32, #tpu.memory_space<vmem>>
    %dma_start3A_58 = arith.constant 0 : i32
    %dma_start3A_59 = arith.constant 0 : i32
    %dma_start3A_60 = tpu.memref_slice %arg4[%dma_start3A_58, %dma_start3A_59] : memref<1024x128xf32, #tpu.memory_space<hbm>> -> memref<1024x128xf32, #tpu.memory_space<hbm>>
    tpu.enqueue_indirect_dma source(%dma_start3A_60 : memref<1024x128xf32, #tpu.memory_space<hbm>>) target(%dma_start3A_54 : memref<128x128xf32, #tpu.memory_space<vmem>>) offsets(%dma_start3A_57 : memref<128xi32, #tpu.memory_space<vmem>>) semaphore(%arg15 : memref<!tpu.dma_semaphore, #tpu.memory_space<semaphore_mem>>)
    %dma_wait3A = arith.constant 0 : i32
    %dma_wait3A_61 = arith.constant 0 : i32
    %dma_wait3A_62 = arith.constant 0 : i32
    %dma_wait3A_63 = arith.constant 0 : i32
    %dma_wait3A_64 = tpu.memref_slice %arg9[%dma_wait3A_61, %dma_wait3A_62, %dma_wait3A_63] : memref<2x128x128xf32, #tpu.memory_space<vmem>> -> memref<1x128x128xf32, #tpu.memory_space<vmem>>
    %dma_wait3A_65 = tpu.memref_squeeze %dma_wait3A_64 : memref<1x128x128xf32, #tpu.memory_space<vmem>> -> memref<128x128xf32, #tpu.memory_space<vmem>>
    %dma_wait3A_66 = arith.constant 0 : i32
    %dma_wait3A_67 = tpu.memref_slice %arg7[%dma_wait3A, %dma_wait3A_66] : memref<4x128xi32, #tpu.memory_space<vmem>> -> memref<1x128xi32, #tpu.memory_space<vmem>>
    %dma_wait3A_68 = tpu.memref_squeeze %dma_wait3A_67 : memref<1x128xi32, #tpu.memory_space<vmem>> -> memref<128xi32, #tpu.memory_space<vmem>>
    %dma_wait3A_69 = arith.constant 0 : i32
    %dma_wait3A_70 = arith.constant 0 : i32
    %dma_wait3A_71 = tpu.memref_slice %arg3[%dma_wait3A_69, %dma_wait3A_70] : memref<977x128xf32, #tpu.memory_space<hbm>> -> memref<977x128xf32, #tpu.memory_space<hbm>>
    tpu.wait_indirect_dma semaphore(%arg12 : memref<!tpu.dma_semaphore, #tpu.memory_space<semaphore_mem>>) src(%dma_wait3A_71 : memref<977x128xf32, #tpu.memory_space<hbm>>) dst(%dma_wait3A_65 : memref<128x128xf32, #tpu.memory_space<vmem>>)
    %dma_wait3A_72 = arith.constant 0 : i32
    %dma_wait3A_73 = arith.constant 0 : i32
    %dma_wait3A_74 = arith.constant 0 : i32
    %dma_wait3A_75 = arith.constant 0 : i32
    %dma_wait3A_76 = tpu.memref_slice %arg10[%dma_wait3A_73, %dma_wait3A_74, %dma_wait3A_75] : memref<2x128x128xf32, #tpu.memory_space<vmem>> -> memref<1x128x128xf32, #tpu.memory_space<vmem>>
    %dma_wait3A_77 = tpu.memref_squeeze %dma_wait3A_76 : memref<1x128x128xf32, #tpu.memory_space<vmem>> -> memref<128x128xf32, #tpu.memory_space<vmem>>
    %dma_wait3A_78 = arith.constant 0 : i32
    %dma_wait3A_79 = tpu.memref_slice %arg8[%dma_wait3A_72, %dma_wait3A_78] : memref<4x128xi32, #tpu.memory_space<vmem>> -> memref<1x128xi32, #tpu.memory_space<vmem>>
    %dma_wait3A_80 = tpu.memref_squeeze %dma_wait3A_79 : memref<1x128xi32, #tpu.memory_space<vmem>> -> memref<128xi32, #tpu.memory_space<vmem>>
    %dma_wait3A_81 = arith.constant 0 : i32
    %dma_wait3A_82 = arith.constant 0 : i32
    %dma_wait3A_83 = tpu.memref_slice %arg4[%dma_wait3A_81, %dma_wait3A_82] : memref<1024x128xf32, #tpu.memory_space<hbm>> -> memref<1024x128xf32, #tpu.memory_space<hbm>>
    tpu.wait_indirect_dma semaphore(%arg14 : memref<!tpu.dma_semaphore, #tpu.memory_space<semaphore_mem>>) src(%dma_wait3A_83 : memref<1024x128xf32, #tpu.memory_space<hbm>>) dst(%dma_wait3A_77 : memref<128x128xf32, #tpu.memory_space<vmem>>)
    %scan3A_84 = arith.constant 0 : i32
    %scan3A_85 = arith.constant 0 : i32
    %scan3A_86 = arith.constant 128 : i32
    %scan3A_87 = arith.addi %scan3A_85, %scan3A_86 : i32
    %scan3A_88 = arith.constant 1 : i32
    scf.for %scan3A_352 = %scan3A_85 to %scan3A_87 step %scan3A_88  : i32 {
      %get3A = arith.constant 0 : i32
      %get3A_353 = arith.index_cast %get3A : i32 to index
      %get3A_354 = arith.index_cast %scan3A_352 : i32 to index
      %get3A_355 = arith.constant 0 : index
      %get3A_356 = tpu.vector_load %arg9[%get3A_353, %get3A_354, %get3A_355] {strides = array<i32>} : memref<2x128x128xf32, #tpu.memory_space<vmem>>, vector<1x1x16xf32>,
      %get3A_357 = vector.shape_cast %get3A_356 : vector<1x1x16xf32> to vector<16xf32>
      %get3A_358 = arith.constant 0 : i32
      %get3A_359 = arith.index_cast %get3A_358 : i32 to index
      %get3A_360 = arith.index_cast %scan3A_352 : i32 to index
      %get3A_361 = arith.constant 0 : index
      %get3A_362 = tpu.vector_load %arg10[%get3A_359, %get3A_360, %get3A_361] {strides = array<i32>} : memref<2x128x128xf32, #tpu.memory_space<vmem>>, vector<1x1x16xf32>,
      %get3A_363 = vector.shape_cast %get3A_362 : vector<1x1x16xf32> to vector<16xf32>
      %mul3A_364 = arith.mulf %get3A_357, %get3A_363 : vector<16xf32>
      %swap3A = arith.constant 0 : i32
      %swap3A_365 = arith.index_cast %swap3A : i32 to index
      %swap3A_366 = arith.index_cast %scan3A_352 : i32 to index
      %swap3A_367 = arith.constant 0 : index
      %swap3A_368 = tpu.vector_load %arg11[%swap3A_365, %swap3A_366, %swap3A_367] {strides = array<i32>} : memref<2x128x64xf32, #tpu.memory_space<vmem>>, vector<1x1x16xf32>,
      %swap3A_369 = vector.shape_cast %swap3A_368 : vector<1x1x16xf32> to vector<16xf32>
      %swap3A_370 = vector.shape_cast %mul3A_364 : vector<16xf32> to vector<1x1x16xf32>
      tpu.vector_store %arg11[%swap3A_365, %swap3A_366, %swap3A_367], %swap3A_370 {strides = array<i32>} : memref<2x128x64xf32, #tpu.memory_space<vmem>>, vector<1x1x16xf32>,
      %get3A_371 = arith.constant 0 : i32
      %get3A_372 = arith.index_cast %get3A_371 : i32 to index
      %get3A_373 = arith.index_cast %scan3A_352 : i32 to index
      %get3A_374 = arith.constant 16 : index
      %get3A_375 = tpu.vector_load %arg9[%get3A_372, %get3A_373, %get3A_374] {strides = array<i32>} : memref<2x128x128xf32, #tpu.memory_space<vmem>>, vector<1x1x16xf32>,
      %get3A_376 = vector.shape_cast %get3A_375 : vector<1x1x16xf32> to vector<16xf32>
      %get3A_377 = arith.constant 0 : i32
      %get3A_378 = arith.index_cast %get3A_377 : i32 to index
      %get3A_379 = arith.index_cast %scan3A_352 : i32 to index
      %get3A_380 = arith.constant 16 : index
      %get3A_381 = tpu.vector_load %arg10[%get3A_378, %get3A_379, %get3A_380] {strides = array<i32>} : memref<2x128x128xf32, #tpu.memory_space<vmem>>, vector<1x1x16xf32>,
      %get3A_382 = vector.shape_cast %get3A_381 : vector<1x1x16xf32> to vector<16xf32>
      %mul3A_383 = arith.mulf %get3A_376, %get3A_382 : vector<16xf32>
      %swap3A_384 = arith.constant 0 : i32
      %swap3A_385 = arith.index_cast %swap3A_384 : i32 to index
      %swap3A_386 = arith.index_cast %scan3A_352 : i32 to index
      %swap3A_387 = arith.constant 16 : index
      %swap3A_388 = tpu.vector_load %arg11[%swap3A_385, %swap3A_386, %swap3A_387] {strides = array<i32>} : memref<2x128x64xf32, #tpu.memory_space<vmem>>, vector<1x1x16xf32>,
      %swap3A_389 = vector.shape_cast %swap3A_388 : vector<1x1x16xf32> to vector<16xf32>
      %swap3A_390 = vector.shape_cast %mul3A_383 : vector<16xf32> to vector<1x1x16xf32>
      tpu.vector_store %arg11[%swap3A_385, %swap3A_386, %swap3A_387], %swap3A_390 {strides = array<i32>} : memref<2x128x64xf32, #tpu.memory_space<vmem>>, vector<1x1x16xf32>,
      %get3A_391 = arith.constant 0 : i32
      %get3A_392 = arith.index_cast %get3A_391 : i32 to index
      %get3A_393 = arith.index_cast %scan3A_352 : i32 to index
      %get3A_394 = arith.constant 32 : index
      %get3A_395 = tpu.vector_load %arg9[%get3A_392, %get3A_393, %get3A_394] {strides = array<i32>} : memref<2x128x128xf32, #tpu.memory_space<vmem>>, vector<1x1x16xf32>,
      %get3A_396 = vector.shape_cast %get3A_395 : vector<1x1x16xf32> to vector<16xf32>
      %get3A_397 = arith.constant 0 : i32
      %get3A_398 = arith.index_cast %get3A_397 : i32 to index
      %get3A_399 = arith.index_cast %scan3A_352 : i32 to index
      %get3A_400 = arith.constant 32 : index
      %get3A_401 = tpu.vector_load %arg10[%get3A_398, %get3A_399, %get3A_400] {strides = array<i32>} : memref<2x128x128xf32, #tpu.memory_space<vmem>>, vector<1x1x16xf32>,
      %get3A_402 = vector.shape_cast %get3A_401 : vector<1x1x16xf32> to vector<16xf32>
      %mul3A_403 = arith.mulf %get3A_396, %get3A_402 : vector<16xf32>
      %swap3A_404 = arith.constant 0 : i32
      %swap3A_405 = arith.index_cast %swap3A_404 : i32 to index
      %swap3A_406 = arith.index_cast %scan3A_352 : i32 to index
      %swap3A_407 = arith.constant 32 : index
      %swap3A_408 = tpu.vector_load %arg11[%swap3A_405, %swap3A_406, %swap3A_407] {strides = array<i32>} : memref<2x128x64xf32, #tpu.memory_space<vmem>>, vector<1x1x16xf32>,
      %swap3A_409 = vector.shape_cast %swap3A_408 : vector<1x1x16xf32> to vector<16xf32>
      %swap3A_410 = vector.shape_cast %mul3A_403 : vector<16xf32> to vector<1x1x16xf32>
      tpu.vector_store %arg11[%swap3A_405, %swap3A_406, %swap3A_407], %swap3A_410 {strides = array<i32>} : memref<2x128x64xf32, #tpu.memory_space<vmem>>, vector<1x1x16xf32>,
      %get3A_411 = arith.constant 0 : i32
      %get3A_412 = arith.index_cast %get3A_411 : i32 to index
      %get3A_413 = arith.index_cast %scan3A_352 : i32 to index
      %get3A_414 = arith.constant 48 : index
      %get3A_415 = tpu.vector_load %arg9[%get3A_412, %get3A_413, %get3A_414] {strides = array<i32>} : memref<2x128x128xf32, #tpu.memory_space<vmem>>, vector<1x1x16xf32>,
      %get3A_416 = vector.shape_cast %get3A_415 : vector<1x1x16xf32> to vector<16xf32>
      %get3A_417 = arith.constant 0 : i32
      %get3A_418 = arith.index_cast %get3A_417 : i32 to index
      %get3A_419 = arith.index_cast %scan3A_352 : i32 to index
      %get3A_420 = arith.constant 48 : index
      %get3A_421 = tpu.vector_load %arg10[%get3A_418, %get3A_419, %get3A_420] {strides = array<i32>} : memref<2x128x128xf32, #tpu.memory_space<vmem>>, vector<1x1x16xf32>,
      %get3A_422 = vector.shape_cast %get3A_421 : vector<1x1x16xf32> to vector<16xf32>
      %mul3A_423 = arith.mulf %get3A_416, %get3A_422 : vector<16xf32>
      %swap3A_424 = arith.constant 0 : i32
      %swap3A_425 = arith.index_cast %swap3A_424 : i32 to index
      %swap3A_426 = arith.index_cast %scan3A_352 : i32 to index
      %swap3A_427 = arith.constant 48 : index
      %swap3A_428 = tpu.vector_load %arg11[%swap3A_425, %swap3A_426, %swap3A_427] {strides = array<i32>} : memref<2x128x64xf32, #tpu.memory_space<vmem>>, vector<1x1x16xf32>,
      %swap3A_429 = vector.shape_cast %swap3A_428 : vector<1x1x16xf32> to vector<16xf32>
      %swap3A_430 = vector.shape_cast %mul3A_423 : vector<16xf32> to vector<1x1x16xf32>
      tpu.vector_store %arg11[%swap3A_425, %swap3A_426, %swap3A_427], %swap3A_430 {strides = array<i32>} : memref<2x128x64xf32, #tpu.memory_space<vmem>>, vector<1x1x16xf32>,
    }
    %scan3A_89 = arith.constant 128 : i32
    %add3A_90 = arith.constant 0 : i32
    %add3A_91 = arith.addi %mul3A_2, %add3A_90 : i32
    %dma_start3A_92 = arith.constant 0 : i32
    %dma_start3A_93 = arith.constant 0 : i32
    %dma_start3A_94 = arith.constant 0 : i32
    %dma_start3A_95 = tpu.memref_slice %arg11[%dma_start3A_92, %dma_start3A_93, %dma_start3A_94] : memref<2x128x64xf32, #tpu.memory_space<vmem>> -> memref<1x128x64xf32, #tpu.memory_space<vmem>>
    %dma_start3A_96 = tpu.memref_squeeze %dma_start3A_95 : memref<1x128x64xf32, #tpu.memory_space<vmem>> -> memref<128x64xf32, #tpu.memory_space<vmem>>
    %dma_start3A_97 = arith.constant 0 : i32
    %dma_start3A_98 = tpu.memref_slice %arg5[%add3A_91, %dma_start3A_97] : memref<16384x64xf32, #tpu.memory_space<hbm>> -> memref<128x64xf32, #tpu.memory_space<hbm>>
    %dma_start3A_99 = arith.constant 0 : i32
    %dma_start3A_100 = tpu.memref_slice %arg5[%add3A_91, %dma_start3A_99] : memref<16384x64xf32, #tpu.memory_space<hbm>> -> memref<128x64xf32, #tpu.memory_space<hbm>>
    %dma_start3A_101 = arith.constant 0 : i32
    %dma_start3A_102 = arith.constant 0 : i32
    %dma_start3A_103 = tpu.memref_slice %arg11[%dma_start3A_92, %dma_start3A_101, %dma_start3A_102] : memref<2x128x64xf32, #tpu.memory_space<vmem>> -> memref<1x128x64xf32, #tpu.memory_space<vmem>>
    %dma_start3A_104 = tpu.memref_squeeze %dma_start3A_103 : memref<1x128x64xf32, #tpu.memory_space<vmem>> -> memref<128x64xf32, #tpu.memory_space<vmem>>
    tpu.enqueue_dma source(%dma_start3A_104 : memref<128x64xf32, #tpu.memory_space<vmem>>) target(%dma_start3A_100 : memref<128x64xf32, #tpu.memory_space<hbm>>) target_semaphore(%arg16 : memref<!tpu.dma_semaphore, #tpu.memory_space<semaphore_mem>>)
    %dma_wait3A_105 = arith.constant 0 : i32
    %dma_wait3A_106 = arith.constant 0 : i32
    %dma_wait3A_107 = arith.constant 0 : i32
    %dma_wait3A_108 = tpu.memref_slice %arg11[%dma_wait3A_105, %dma_wait3A_106, %dma_wait3A_107] : memref<2x128x64xf32, #tpu.memory_space<vmem>> -> memref<1x128x64xf32, #tpu.memory_space<vmem>>
    %dma_wait3A_109 = tpu.memref_squeeze %dma_wait3A_108 : memref<1x128x64xf32, #tpu.memory_space<vmem>> -> memref<128x64xf32, #tpu.memory_space<vmem>>
    %dma_wait3A_110 = arith.constant 0 : i32
    %dma_wait3A_111 = tpu.memref_slice %arg5[%add3A_91, %dma_wait3A_110] : memref<16384x64xf32, #tpu.memory_space<hbm>> -> memref<128x64xf32, #tpu.memory_space<hbm>>
    %dma_wait3A_112 = arith.constant 0 : i32
    %dma_wait3A_113 = tpu.memref_slice %arg5[%add3A_91, %dma_wait3A_112] : memref<16384x64xf32, #tpu.memory_space<hbm>> -> memref<128x64xf32, #tpu.memory_space<hbm>>
    %dma_wait3A_114 = arith.constant 0 : i32
    %dma_wait3A_115 = arith.constant 0 : i32
    %dma_wait3A_116 = tpu.memref_slice %arg11[%dma_wait3A_105, %dma_wait3A_114, %dma_wait3A_115] : memref<2x128x64xf32, #tpu.memory_space<vmem>> -> memref<1x128x64xf32, #tpu.memory_space<vmem>>
    %dma_wait3A_117 = tpu.memref_squeeze %dma_wait3A_116 : memref<1x128x64xf32, #tpu.memory_space<vmem>> -> memref<128x64xf32, #tpu.memory_space<vmem>>
    tpu.wait_dma2 semaphore(%arg16 : memref<!tpu.dma_semaphore, #tpu.memory_space<semaphore_mem>>) src(%dma_wait3A_117 : memref<128x64xf32, #tpu.memory_space<vmem>>) dst(%dma_wait3A_113 : memref<128x64xf32, #tpu.memory_space<hbm>>)
    %scan3A_118 = arith.constant 0 : i32
    %scan3A_119 = arith.constant 0 : i32
    %scan3A_120 = arith.constant 8 : i32
    %scan3A_121 = arith.addi %scan3A_119, %scan3A_120 : i32
    %scan3A_122 = arith.constant 1 : i32
    scf.for %scan3A_352 = %scan3A_119 to %scan3A_121 step %scan3A_122  : i32 {
      %mul3A_353 = arith.constant 16 : i32
      %mul3A_354 = arith.muli %scan3A_352, %mul3A_353 : i32
      %mul3A_355 = arith.constant 16 : i32
      %mul3A_356 = arith.muli %scan3A_352, %mul3A_355 : i32
      %add3A_357 = arith.constant 256 : i32
      %add3A_358 = arith.addi %add3A_357, %mul3A_356 : i32
      %get3A = arith.index_cast %add3A_358 : i32 to index
      %get3A_359 = tpu.vector_load %arg6[%get3A] {strides = array<i32>} : memref<512xi32, #tpu.memory_space<vmem>>, vector<16xi32>,
      %get3A_360 = vector.shape_cast %get3A_359 : vector<16xi32> to vector<16xi32>
      %shift_right_logical3A = arith.constant 10 : i32
      %shift_right_logical3A_361 = vector.broadcast %shift_right_logical3A : i32 to vector<16xi32>
      %shift_right_logical3A_362 = arith.shrui %get3A_360, %shift_right_logical3A_361 : vector<16xi32>
      %swap3A = arith.constant 2 : i32
      %swap3A_363 = arith.index_cast %swap3A : i32 to index
      %swap3A_364 = arith.index_cast %mul3A_354 : i32 to index
      %swap3A_365 = tpu.vector_load %arg7[%swap3A_363, %swap3A_364] {strides = array<i32>} : memref<4x128xi32, #tpu.memory_space<vmem>>, vector<1x16xi32>,
      %swap3A_366 = vector.shape_cast %swap3A_365 : vector<1x16xi32> to vector<16xi32>
      %swap3A_367 = vector.shape_cast %shift_right_logical3A_362 : vector<16xi32> to vector<1x16xi32>
      tpu.vector_store %arg7[%swap3A_363, %swap3A_364], %swap3A_367 {strides = array<i32>} : memref<4x128xi32, #tpu.memory_space<vmem>>, vector<1x16xi32>,
      %and3A = arith.constant 1023 : i32
      %and3A_368 = vector.broadcast %and3A : i32 to vector<16xi32>
      %and3A_369 = arith.andi %get3A_360, %and3A_368 : vector<16xi32>
      %swap3A_370 = arith.constant 2 : i32
      %swap3A_371 = arith.index_cast %swap3A_370 : i32 to index
      %swap3A_372 = arith.index_cast %mul3A_354 : i32 to index
      %swap3A_373 = tpu.vector_load %arg8[%swap3A_371, %swap3A_372] {strides = array<i32>} : memref<4x128xi32, #tpu.memory_space<vmem>>, vector<1x16xi32>,
      %swap3A_374 = vector.shape_cast %swap3A_373 : vector<1x16xi32> to vector<16xi32>
      %swap3A_375 = vector.shape_cast %and3A_369 : vector<16xi32> to vector<1x16xi32>
      tpu.vector_store %arg8[%swap3A_371, %swap3A_372], %swap3A_375 {strides = array<i32>} : memref<4x128xi32, #tpu.memory_space<vmem>>, vector<1x16xi32>,
    }
    %scan3A_123 = arith.constant 8 : i32
    %dma_start3A_124 = arith.constant 2 : i32
    %dma_start3A_125 = arith.constant 0 : i32
    %dma_start3A_126 = arith.constant 0 : i32
    %dma_start3A_127 = arith.constant 0 : i32
    %dma_start3A_128 = tpu.memref_slice %arg9[%dma_start3A_125, %dma_start3A_126, %dma_start3A_127] : memref<2x128x128xf32, #tpu.memory_space<vmem>> -> memref<1x128x128xf32, #tpu.memory_space<vmem>>
    %dma_start3A_129 = tpu.memref_squeeze %dma_start3A_128 : memref<1x128x128xf32, #tpu.memory_space<vmem>> -> memref<128x128xf32, #tpu.memory_space<vmem>>
    %dma_start3A_130 = arith.constant 0 : i32
    %dma_start3A_131 = tpu.memref_slice %arg7[%dma_start3A_124, %dma_start3A_130] : memref<4x128xi32, #tpu.memory_space<vmem>> -> memref<1x128xi32, #tpu.memory_space<vmem>>
    %dma_start3A_132 = tpu.memref_squeeze %dma_start3A_131 : memref<1x128xi32, #tpu.memory_space<vmem>> -> memref<128xi32, #tpu.memory_space<vmem>>
    %dma_start3A_133 = arith.constant 0 : i32
    %dma_start3A_134 = arith.constant 0 : i32
    %dma_start3A_135 = tpu.memref_slice %arg3[%dma_start3A_133, %dma_start3A_134] : memref<977x128xf32, #tpu.memory_space<hbm>> -> memref<977x128xf32, #tpu.memory_space<hbm>>
    tpu.enqueue_indirect_dma source(%dma_start3A_135 : memref<977x128xf32, #tpu.memory_space<hbm>>) target(%dma_start3A_129 : memref<128x128xf32, #tpu.memory_space<vmem>>) offsets(%dma_start3A_132 : memref<128xi32, #tpu.memory_space<vmem>>) semaphore(%arg12 : memref<!tpu.dma_semaphore, #tpu.memory_space<semaphore_mem>>)
    %dma_start3A_136 = arith.constant 2 : i32
    %dma_start3A_137 = arith.constant 0 : i32
    %dma_start3A_138 = arith.constant 0 : i32
    %dma_start3A_139 = arith.constant 0 : i32
    %dma_start3A_140 = tpu.memref_slice %arg10[%dma_start3A_137, %dma_start3A_138, %dma_start3A_139] : memref<2x128x128xf32, #tpu.memory_space<vmem>> -> memref<1x128x128xf32, #tpu.memory_space<vmem>>
    %dma_start3A_141 = tpu.memref_squeeze %dma_start3A_140 : memref<1x128x128xf32, #tpu.memory_space<vmem>> -> memref<128x128xf32, #tpu.memory_space<vmem>>
    %dma_start3A_142 = arith.constant 0 : i32
    %dma_start3A_143 = tpu.memref_slice %arg8[%dma_start3A_136, %dma_start3A_142] : memref<4x128xi32, #tpu.memory_space<vmem>> -> memref<1x128xi32, #tpu.memory_space<vmem>>
    %dma_start3A_144 = tpu.memref_squeeze %dma_start3A_143 : memref<1x128xi32, #tpu.memory_space<vmem>> -> memref<128xi32, #tpu.memory_space<vmem>>
    %dma_start3A_145 = arith.constant 0 : i32
    %dma_start3A_146 = arith.constant 0 : i32
    %dma_start3A_147 = tpu.memref_slice %arg4[%dma_start3A_145, %dma_start3A_146] : memref<1024x128xf32, #tpu.memory_space<hbm>> -> memref<1024x128xf32, #tpu.memory_space<hbm>>
    tpu.enqueue_indirect_dma source(%dma_start3A_147 : memref<1024x128xf32, #tpu.memory_space<hbm>>) target(%dma_start3A_141 : memref<128x128xf32, #tpu.memory_space<vmem>>) offsets(%dma_start3A_144 : memref<128xi32, #tpu.memory_space<vmem>>) semaphore(%arg14 : memref<!tpu.dma_semaphore, #tpu.memory_space<semaphore_mem>>)
    %dma_wait3A_148 = arith.constant 1 : i32
    %dma_wait3A_149 = arith.constant 1 : i32
    %dma_wait3A_150 = arith.constant 0 : i32
    %dma_wait3A_151 = arith.constant 0 : i32
    %dma_wait3A_152 = tpu.memref_slice %arg9[%dma_wait3A_149, %dma_wait3A_150, %dma_wait3A_151] : memref<2x128x128xf32, #tpu.memory_space<vmem>> -> memref<1x128x128xf32, #tpu.memory_space<vmem>>
    %dma_wait3A_153 = tpu.memref_squeeze %dma_wait3A_152 : memref<1x128x128xf32, #tpu.memory_space<vmem>> -> memref<128x128xf32, #tpu.memory_space<vmem>>
    %dma_wait3A_154 = arith.constant 0 : i32
    %dma_wait3A_155 = tpu.memref_slice %arg7[%dma_wait3A_148, %dma_wait3A_154] : memref<4x128xi32, #tpu.memory_space<vmem>> -> memref<1x128xi32, #tpu.memory_space<vmem>>
    %dma_wait3A_156 = tpu.memref_squeeze %dma_wait3A_155 : memref<1x128xi32, #tpu.memory_space<vmem>> -> memref<128xi32, #tpu.memory_space<vmem>>
    %dma_wait3A_157 = arith.constant 0 : i32
    %dma_wait3A_158 = arith.constant 0 : i32
    %dma_wait3A_159 = tpu.memref_slice %arg3[%dma_wait3A_157, %dma_wait3A_158] : memref<977x128xf32, #tpu.memory_space<hbm>> -> memref<977x128xf32, #tpu.memory_space<hbm>>
    tpu.wait_indirect_dma semaphore(%arg13 : memref<!tpu.dma_semaphore, #tpu.memory_space<semaphore_mem>>) src(%dma_wait3A_159 : memref<977x128xf32, #tpu.memory_space<hbm>>) dst(%dma_wait3A_153 : memref<128x128xf32, #tpu.memory_space<vmem>>)
    %dma_wait3A_160 = arith.constant 1 : i32
    %dma_wait3A_161 = arith.constant 1 : i32
    %dma_wait3A_162 = arith.constant 0 : i32
    %dma_wait3A_163 = arith.constant 0 : i32
    %dma_wait3A_164 = tpu.memref_slice %arg10[%dma_wait3A_161, %dma_wait3A_162, %dma_wait3A_163] : memref<2x128x128xf32, #tpu.memory_space<vmem>> -> memref<1x128x128xf32, #tpu.memory_space<vmem>>
    %dma_wait3A_165 = tpu.memref_squeeze %dma_wait3A_164 : memref<1x128x128xf32, #tpu.memory_space<vmem>> -> memref<128x128xf32, #tpu.memory_space<vmem>>
    %dma_wait3A_166 = arith.constant 0 : i32
    %dma_wait3A_167 = tpu.memref_slice %arg8[%dma_wait3A_160, %dma_wait3A_166] : memref<4x128xi32, #tpu.memory_space<vmem>> -> memref<1x128xi32, #tpu.memory_space<vmem>>
    %dma_wait3A_168 = tpu.memref_squeeze %dma_wait3A_167 : memref<1x128xi32, #tpu.memory_space<vmem>> -> memref<128xi32, #tpu.memory_space<vmem>>
    %dma_wait3A_169 = arith.constant 0 : i32
    %dma_wait3A_170 = arith.constant 0 : i32
    %dma_wait3A_171 = tpu.memref_slice %arg4[%dma_wait3A_169, %dma_wait3A_170] : memref<1024x128xf32, #tpu.memory_space<hbm>> -> memref<1024x128xf32, #tpu.memory_space<hbm>>
    tpu.wait_indirect_dma semaphore(%arg15 : memref<!tpu.dma_semaphore, #tpu.memory_space<semaphore_mem>>) src(%dma_wait3A_171 : memref<1024x128xf32, #tpu.memory_space<hbm>>) dst(%dma_wait3A_165 : memref<128x128xf32, #tpu.memory_space<vmem>>)
    %scan3A_172 = arith.constant 0 : i32
    %scan3A_173 = arith.constant 0 : i32
    %scan3A_174 = arith.constant 128 : i32
    %scan3A_175 = arith.addi %scan3A_173, %scan3A_174 : i32
    %scan3A_176 = arith.constant 1 : i32
    scf.for %scan3A_352 = %scan3A_173 to %scan3A_175 step %scan3A_176  : i32 {
      %get3A = arith.constant 1 : i32
      %get3A_353 = arith.index_cast %get3A : i32 to index
      %get3A_354 = arith.index_cast %scan3A_352 : i32 to index
      %get3A_355 = arith.constant 0 : index
      %get3A_356 = tpu.vector_load %arg9[%get3A_353, %get3A_354, %get3A_355] {strides = array<i32>} : memref<2x128x128xf32, #tpu.memory_space<vmem>>, vector<1x1x16xf32>,
      %get3A_357 = vector.shape_cast %get3A_356 : vector<1x1x16xf32> to vector<16xf32>
      %get3A_358 = arith.constant 1 : i32
      %get3A_359 = arith.index_cast %get3A_358 : i32 to index
      %get3A_360 = arith.index_cast %scan3A_352 : i32 to index
      %get3A_361 = arith.constant 0 : index
      %get3A_362 = tpu.vector_load %arg10[%get3A_359, %get3A_360, %get3A_361] {strides = array<i32>} : memref<2x128x128xf32, #tpu.memory_space<vmem>>, vector<1x1x16xf32>,
      %get3A_363 = vector.shape_cast %get3A_362 : vector<1x1x16xf32> to vector<16xf32>
      %mul3A_364 = arith.mulf %get3A_357, %get3A_363 : vector<16xf32>
      %swap3A = arith.constant 1 : i32
      %swap3A_365 = arith.index_cast %swap3A : i32 to index
      %swap3A_366 = arith.index_cast %scan3A_352 : i32 to index
      %swap3A_367 = arith.constant 0 : index
      %swap3A_368 = tpu.vector_load %arg11[%swap3A_365, %swap3A_366, %swap3A_367] {strides = array<i32>} : memref<2x128x64xf32, #tpu.memory_space<vmem>>, vector<1x1x16xf32>,
      %swap3A_369 = vector.shape_cast %swap3A_368 : vector<1x1x16xf32> to vector<16xf32>
      %swap3A_370 = vector.shape_cast %mul3A_364 : vector<16xf32> to vector<1x1x16xf32>
      tpu.vector_store %arg11[%swap3A_365, %swap3A_366, %swap3A_367], %swap3A_370 {strides = array<i32>} : memref<2x128x64xf32, #tpu.memory_space<vmem>>, vector<1x1x16xf32>,
      %get3A_371 = arith.constant 1 : i32
      %get3A_372 = arith.index_cast %get3A_371 : i32 to index
      %get3A_373 = arith.index_cast %scan3A_352 : i32 to index
      %get3A_374 = arith.constant 16 : index
      %get3A_375 = tpu.vector_load %arg9[%get3A_372, %get3A_373, %get3A_374] {strides = array<i32>} : memref<2x128x128xf32, #tpu.memory_space<vmem>>, vector<1x1x16xf32>,
      %get3A_376 = vector.shape_cast %get3A_375 : vector<1x1x16xf32> to vector<16xf32>
      %get3A_377 = arith.constant 1 : i32
      %get3A_378 = arith.index_cast %get3A_377 : i32 to index
      %get3A_379 = arith.index_cast %scan3A_352 : i32 to index
      %get3A_380 = arith.constant 16 : index
      %get3A_381 = tpu.vector_load %arg10[%get3A_378, %get3A_379, %get3A_380] {strides = array<i32>} : memref<2x128x128xf32, #tpu.memory_space<vmem>>, vector<1x1x16xf32>,
      %get3A_382 = vector.shape_cast %get3A_381 : vector<1x1x16xf32> to vector<16xf32>
      %mul3A_383 = arith.mulf %get3A_376, %get3A_382 : vector<16xf32>
      %swap3A_384 = arith.constant 1 : i32
      %swap3A_385 = arith.index_cast %swap3A_384 : i32 to index
      %swap3A_386 = arith.index_cast %scan3A_352 : i32 to index
      %swap3A_387 = arith.constant 16 : index
      %swap3A_388 = tpu.vector_load %arg11[%swap3A_385, %swap3A_386, %swap3A_387] {strides = array<i32>} : memref<2x128x64xf32, #tpu.memory_space<vmem>>, vector<1x1x16xf32>,
      %swap3A_389 = vector.shape_cast %swap3A_388 : vector<1x1x16xf32> to vector<16xf32>
      %swap3A_390 = vector.shape_cast %mul3A_383 : vector<16xf32> to vector<1x1x16xf32>
      tpu.vector_store %arg11[%swap3A_385, %swap3A_386, %swap3A_387], %swap3A_390 {strides = array<i32>} : memref<2x128x64xf32, #tpu.memory_space<vmem>>, vector<1x1x16xf32>,
      %get3A_391 = arith.constant 1 : i32
      %get3A_392 = arith.index_cast %get3A_391 : i32 to index
      %get3A_393 = arith.index_cast %scan3A_352 : i32 to index
      %get3A_394 = arith.constant 32 : index
      %get3A_395 = tpu.vector_load %arg9[%get3A_392, %get3A_393, %get3A_394] {strides = array<i32>} : memref<2x128x128xf32, #tpu.memory_space<vmem>>, vector<1x1x16xf32>,
      %get3A_396 = vector.shape_cast %get3A_395 : vector<1x1x16xf32> to vector<16xf32>
      %get3A_397 = arith.constant 1 : i32
      %get3A_398 = arith.index_cast %get3A_397 : i32 to index
      %get3A_399 = arith.index_cast %scan3A_352 : i32 to index
      %get3A_400 = arith.constant 32 : index
      %get3A_401 = tpu.vector_load %arg10[%get3A_398, %get3A_399, %get3A_400] {strides = array<i32>} : memref<2x128x128xf32, #tpu.memory_space<vmem>>, vector<1x1x16xf32>,
      %get3A_402 = vector.shape_cast %get3A_401 : vector<1x1x16xf32> to vector<16xf32>
      %mul3A_403 = arith.mulf %get3A_396, %get3A_402 : vector<16xf32>
      %swap3A_404 = arith.constant 1 : i32
      %swap3A_405 = arith.index_cast %swap3A_404 : i32 to index
      %swap3A_406 = arith.index_cast %scan3A_352 : i32 to index
      %swap3A_407 = arith.constant 32 : index
      %swap3A_408 = tpu.vector_load %arg11[%swap3A_405, %swap3A_406, %swap3A_407] {strides = array<i32>} : memref<2x128x64xf32, #tpu.memory_space<vmem>>, vector<1x1x16xf32>,
      %swap3A_409 = vector.shape_cast %swap3A_408 : vector<1x1x16xf32> to vector<16xf32>
      %swap3A_410 = vector.shape_cast %mul3A_403 : vector<16xf32> to vector<1x1x16xf32>
      tpu.vector_store %arg11[%swap3A_405, %swap3A_406, %swap3A_407], %swap3A_410 {strides = array<i32>} : memref<2x128x64xf32, #tpu.memory_space<vmem>>, vector<1x1x16xf32>,
      %get3A_411 = arith.constant 1 : i32
      %get3A_412 = arith.index_cast %get3A_411 : i32 to index
      %get3A_413 = arith.index_cast %scan3A_352 : i32 to index
      %get3A_414 = arith.constant 48 : index
      %get3A_415 = tpu.vector_load %arg9[%get3A_412, %get3A_413, %get3A_414] {strides = array<i32>} : memref<2x128x128xf32, #tpu.memory_space<vmem>>, vector<1x1x16xf32>,
      %get3A_416 = vector.shape_cast %get3A_415 : vector<1x1x16xf32> to vector<16xf32>
      %get3A_417 = arith.constant 1 : i32
      %get3A_418 = arith.index_cast %get3A_417 : i32 to index
      %get3A_419 = arith.index_cast %scan3A_352 : i32 to index
      %get3A_420 = arith.constant 48 : index
      %get3A_421 = tpu.vector_load %arg10[%get3A_418, %get3A_419, %get3A_420] {strides = array<i32>} : memref<2x128x128xf32, #tpu.memory_space<vmem>>, vector<1x1x16xf32>,
      %get3A_422 = vector.shape_cast %get3A_421 : vector<1x1x16xf32> to vector<16xf32>
      %mul3A_423 = arith.mulf %get3A_416, %get3A_422 : vector<16xf32>
      %swap3A_424 = arith.constant 1 : i32
      %swap3A_425 = arith.index_cast %swap3A_424 : i32 to index
      %swap3A_426 = arith.index_cast %scan3A_352 : i32 to index
      %swap3A_427 = arith.constant 48 : index
      %swap3A_428 = tpu.vector_load %arg11[%swap3A_425, %swap3A_426, %swap3A_427] {strides = array<i32>} : memref<2x128x64xf32, #tpu.memory_space<vmem>>, vector<1x1x16xf32>,
      %swap3A_429 = vector.shape_cast %swap3A_428 : vector<1x1x16xf32> to vector<16xf32>
      %swap3A_430 = vector.shape_cast %mul3A_423 : vector<16xf32> to vector<1x1x16xf32>
      tpu.vector_store %arg11[%swap3A_425, %swap3A_426, %swap3A_427], %swap3A_430 {strides = array<i32>} : memref<2x128x64xf32, #tpu.memory_space<vmem>>, vector<1x1x16xf32>,
    }
    %scan3A_177 = arith.constant 128 : i32
    %add3A_178 = arith.constant 128 : i32
    %add3A_179 = arith.addi %mul3A_2, %add3A_178 : i32
    %dma_start3A_180 = arith.constant 1 : i32
    %dma_start3A_181 = arith.constant 0 : i32
    %dma_start3A_182 = arith.constant 0 : i32
    %dma_start3A_183 = tpu.memref_slice %arg11[%dma_start3A_180, %dma_start3A_181, %dma_start3A_182] : memref<2x128x64xf32, #tpu.memory_space<vmem>> -> memref<1x128x64xf32, #tpu.memory_space<vmem>>
    %dma_start3A_184 = tpu.memref_squeeze %dma_start3A_183 : memref<1x128x64xf32, #tpu.memory_space<vmem>> -> memref<128x64xf32, #tpu.memory_space<vmem>>
    %dma_start3A_185 = arith.constant 0 : i32
    %dma_start3A_186 = tpu.memref_slice %arg5[%add3A_179, %dma_start3A_185] : memref<16384x64xf32, #tpu.memory_space<hbm>> -> memref<128x64xf32, #tpu.memory_space<hbm>>
    %dma_start3A_187 = arith.constant 0 : i32
    %dma_start3A_188 = tpu.memref_slice %arg5[%add3A_179, %dma_start3A_187] : memref<16384x64xf32, #tpu.memory_space<hbm>> -> memref<128x64xf32, #tpu.memory_space<hbm>>
    %dma_start3A_189 = arith.constant 0 : i32
    %dma_start3A_190 = arith.constant 0 : i32
    %dma_start3A_191 = tpu.memref_slice %arg11[%dma_start3A_180, %dma_start3A_189, %dma_start3A_190] : memref<2x128x64xf32, #tpu.memory_space<vmem>> -> memref<1x128x64xf32, #tpu.memory_space<vmem>>
    %dma_start3A_192 = tpu.memref_squeeze %dma_start3A_191 : memref<1x128x64xf32, #tpu.memory_space<vmem>> -> memref<128x64xf32, #tpu.memory_space<vmem>>
    tpu.enqueue_dma source(%dma_start3A_192 : memref<128x64xf32, #tpu.memory_space<vmem>>) target(%dma_start3A_188 : memref<128x64xf32, #tpu.memory_space<hbm>>) target_semaphore(%arg17 : memref<!tpu.dma_semaphore, #tpu.memory_space<semaphore_mem>>)
    %dma_wait3A_193 = arith.constant 1 : i32
    %dma_wait3A_194 = arith.constant 0 : i32
    %dma_wait3A_195 = arith.constant 0 : i32
    %dma_wait3A_196 = tpu.memref_slice %arg11[%dma_wait3A_193, %dma_wait3A_194, %dma_wait3A_195] : memref<2x128x64xf32, #tpu.memory_space<vmem>> -> memref<1x128x64xf32, #tpu.memory_space<vmem>>
    %dma_wait3A_197 = tpu.memref_squeeze %dma_wait3A_196 : memref<1x128x64xf32, #tpu.memory_space<vmem>> -> memref<128x64xf32, #tpu.memory_space<vmem>>
    %dma_wait3A_198 = arith.constant 0 : i32
    %dma_wait3A_199 = tpu.memref_slice %arg5[%add3A_179, %dma_wait3A_198] : memref<16384x64xf32, #tpu.memory_space<hbm>> -> memref<128x64xf32, #tpu.memory_space<hbm>>
    %dma_wait3A_200 = arith.constant 0 : i32
    %dma_wait3A_201 = tpu.memref_slice %arg5[%add3A_179, %dma_wait3A_200] : memref<16384x64xf32, #tpu.memory_space<hbm>> -> memref<128x64xf32, #tpu.memory_space<hbm>>
    %dma_wait3A_202 = arith.constant 0 : i32
    %dma_wait3A_203 = arith.constant 0 : i32
    %dma_wait3A_204 = tpu.memref_slice %arg11[%dma_wait3A_193, %dma_wait3A_202, %dma_wait3A_203] : memref<2x128x64xf32, #tpu.memory_space<vmem>> -> memref<1x128x64xf32, #tpu.memory_space<vmem>>
    %dma_wait3A_205 = tpu.memref_squeeze %dma_wait3A_204 : memref<1x128x64xf32, #tpu.memory_space<vmem>> -> memref<128x64xf32, #tpu.memory_space<vmem>>
    tpu.wait_dma2 semaphore(%arg17 : memref<!tpu.dma_semaphore, #tpu.memory_space<semaphore_mem>>) src(%dma_wait3A_205 : memref<128x64xf32, #tpu.memory_space<vmem>>) dst(%dma_wait3A_201 : memref<128x64xf32, #tpu.memory_space<hbm>>)
    %scan3A_206 = arith.constant 0 : i32
    %scan3A_207 = arith.constant 0 : i32
    %scan3A_208 = arith.constant 8 : i32
    %scan3A_209 = arith.addi %scan3A_207, %scan3A_208 : i32
    %scan3A_210 = arith.constant 1 : i32
    scf.for %scan3A_352 = %scan3A_207 to %scan3A_209 step %scan3A_210  : i32 {
      %mul3A_353 = arith.constant 16 : i32
      %mul3A_354 = arith.muli %scan3A_352, %mul3A_353 : i32
      %mul3A_355 = arith.constant 16 : i32
      %mul3A_356 = arith.muli %scan3A_352, %mul3A_355 : i32
      %add3A_357 = arith.constant 384 : i32
      %add3A_358 = arith.addi %add3A_357, %mul3A_356 : i32
      %get3A = arith.index_cast %add3A_358 : i32 to index
      %get3A_359 = tpu.vector_load %arg6[%get3A] {strides = array<i32>} : memref<512xi32, #tpu.memory_space<vmem>>, vector<16xi32>,
      %get3A_360 = vector.shape_cast %get3A_359 : vector<16xi32> to vector<16xi32>
      %shift_right_logical3A = arith.constant 10 : i32
      %shift_right_logical3A_361 = vector.broadcast %shift_right_logical3A : i32 to vector<16xi32>
      %shift_right_logical3A_362 = arith.shrui %get3A_360, %shift_right_logical3A_361 : vector<16xi32>
      %swap3A = arith.constant 3 : i32
      %swap3A_363 = arith.index_cast %swap3A : i32 to index
      %swap3A_364 = arith.index_cast %mul3A_354 : i32 to index
      %swap3A_365 = tpu.vector_load %arg7[%swap3A_363, %swap3A_364] {strides = array<i32>} : memref<4x128xi32, #tpu.memory_space<vmem>>, vector<1x16xi32>,
      %swap3A_366 = vector.shape_cast %swap3A_365 : vector<1x16xi32> to vector<16xi32>
      %swap3A_367 = vector.shape_cast %shift_right_logical3A_362 : vector<16xi32> to vector<1x16xi32>
      tpu.vector_store %arg7[%swap3A_363, %swap3A_364], %swap3A_367 {strides = array<i32>} : memref<4x128xi32, #tpu.memory_space<vmem>>, vector<1x16xi32>,
      %and3A = arith.constant 1023 : i32
      %and3A_368 = vector.broadcast %and3A : i32 to vector<16xi32>
      %and3A_369 = arith.andi %get3A_360, %and3A_368 : vector<16xi32>
      %swap3A_370 = arith.constant 3 : i32
      %swap3A_371 = arith.index_cast %swap3A_370 : i32 to index
      %swap3A_372 = arith.index_cast %mul3A_354 : i32 to index
      %swap3A_373 = tpu.vector_load %arg8[%swap3A_371, %swap3A_372] {strides = array<i32>} : memref<4x128xi32, #tpu.memory_space<vmem>>, vector<1x16xi32>,
      %swap3A_374 = vector.shape_cast %swap3A_373 : vector<1x16xi32> to vector<16xi32>
      %swap3A_375 = vector.shape_cast %and3A_369 : vector<16xi32> to vector<1x16xi32>
      tpu.vector_store %arg8[%swap3A_371, %swap3A_372], %swap3A_375 {strides = array<i32>} : memref<4x128xi32, #tpu.memory_space<vmem>>, vector<1x16xi32>,
    }
    %scan3A_211 = arith.constant 8 : i32
    %dma_start3A_212 = arith.constant 3 : i32
    %dma_start3A_213 = arith.constant 1 : i32
    %dma_start3A_214 = arith.constant 0 : i32
    %dma_start3A_215 = arith.constant 0 : i32
    %dma_start3A_216 = tpu.memref_slice %arg9[%dma_start3A_213, %dma_start3A_214, %dma_start3A_215] : memref<2x128x128xf32, #tpu.memory_space<vmem>> -> memref<1x128x128xf32, #tpu.memory_space<vmem>>
    %dma_start3A_217 = tpu.memref_squeeze %dma_start3A_216 : memref<1x128x128xf32, #tpu.memory_space<vmem>> -> memref<128x128xf32, #tpu.memory_space<vmem>>
    %dma_start3A_218 = arith.constant 0 : i32
    %dma_start3A_219 = tpu.memref_slice %arg7[%dma_start3A_212, %dma_start3A_218] : memref<4x128xi32, #tpu.memory_space<vmem>> -> memref<1x128xi32, #tpu.memory_space<vmem>>
    %dma_start3A_220 = tpu.memref_squeeze %dma_start3A_219 : memref<1x128xi32, #tpu.memory_space<vmem>> -> memref<128xi32, #tpu.memory_space<vmem>>
    %dma_start3A_221 = arith.constant 0 : i32
    %dma_start3A_222 = arith.constant 0 : i32
    %dma_start3A_223 = tpu.memref_slice %arg3[%dma_start3A_221, %dma_start3A_222] : memref<977x128xf32, #tpu.memory_space<hbm>> -> memref<977x128xf32, #tpu.memory_space<hbm>>
    tpu.enqueue_indirect_dma source(%dma_start3A_223 : memref<977x128xf32, #tpu.memory_space<hbm>>) target(%dma_start3A_217 : memref<128x128xf32, #tpu.memory_space<vmem>>) offsets(%dma_start3A_220 : memref<128xi32, #tpu.memory_space<vmem>>) semaphore(%arg13 : memref<!tpu.dma_semaphore, #tpu.memory_space<semaphore_mem>>)
    %dma_start3A_224 = arith.constant 3 : i32
    %dma_start3A_225 = arith.constant 1 : i32
    %dma_start3A_226 = arith.constant 0 : i32
    %dma_start3A_227 = arith.constant 0 : i32
    %dma_start3A_228 = tpu.memref_slice %arg10[%dma_start3A_225, %dma_start3A_226, %dma_start3A_227] : memref<2x128x128xf32, #tpu.memory_space<vmem>> -> memref<1x128x128xf32, #tpu.memory_space<vmem>>
    %dma_start3A_229 = tpu.memref_squeeze %dma_start3A_228 : memref<1x128x128xf32, #tpu.memory_space<vmem>> -> memref<128x128xf32, #tpu.memory_space<vmem>>
    %dma_start3A_230 = arith.constant 0 : i32
    %dma_start3A_231 = tpu.memref_slice %arg8[%dma_start3A_224, %dma_start3A_230] : memref<4x128xi32, #tpu.memory_space<vmem>> -> memref<1x128xi32, #tpu.memory_space<vmem>>
    %dma_start3A_232 = tpu.memref_squeeze %dma_start3A_231 : memref<1x128xi32, #tpu.memory_space<vmem>> -> memref<128xi32, #tpu.memory_space<vmem>>
    %dma_start3A_233 = arith.constant 0 : i32
    %dma_start3A_234 = arith.constant 0 : i32
    %dma_start3A_235 = tpu.memref_slice %arg4[%dma_start3A_233, %dma_start3A_234] : memref<1024x128xf32, #tpu.memory_space<hbm>> -> memref<1024x128xf32, #tpu.memory_space<hbm>>
    tpu.enqueue_indirect_dma source(%dma_start3A_235 : memref<1024x128xf32, #tpu.memory_space<hbm>>) target(%dma_start3A_229 : memref<128x128xf32, #tpu.memory_space<vmem>>) offsets(%dma_start3A_232 : memref<128xi32, #tpu.memory_space<vmem>>) semaphore(%arg15 : memref<!tpu.dma_semaphore, #tpu.memory_space<semaphore_mem>>)
    %dma_wait3A_236 = arith.constant 2 : i32
    %dma_wait3A_237 = arith.constant 0 : i32
    %dma_wait3A_238 = arith.constant 0 : i32
    %dma_wait3A_239 = arith.constant 0 : i32
    %dma_wait3A_240 = tpu.memref_slice %arg9[%dma_wait3A_237, %dma_wait3A_238, %dma_wait3A_239] : memref<2x128x128xf32, #tpu.memory_space<vmem>> -> memref<1x128x128xf32, #tpu.memory_space<vmem>>
    %dma_wait3A_241 = tpu.memref_squeeze %dma_wait3A_240 : memref<1x128x128xf32, #tpu.memory_space<vmem>> -> memref<128x128xf32, #tpu.memory_space<vmem>>
    %dma_wait3A_242 = arith.constant 0 : i32
    %dma_wait3A_243 = tpu.memref_slice %arg7[%dma_wait3A_236, %dma_wait3A_242] : memref<4x128xi32, #tpu.memory_space<vmem>> -> memref<1x128xi32, #tpu.memory_space<vmem>>
    %dma_wait3A_244 = tpu.memref_squeeze %dma_wait3A_243 : memref<1x128xi32, #tpu.memory_space<vmem>> -> memref<128xi32, #tpu.memory_space<vmem>>
    %dma_wait3A_245 = arith.constant 0 : i32
    %dma_wait3A_246 = arith.constant 0 : i32
    %dma_wait3A_247 = tpu.memref_slice %arg3[%dma_wait3A_245, %dma_wait3A_246] : memref<977x128xf32, #tpu.memory_space<hbm>> -> memref<977x128xf32, #tpu.memory_space<hbm>>
    tpu.wait_indirect_dma semaphore(%arg12 : memref<!tpu.dma_semaphore, #tpu.memory_space<semaphore_mem>>) src(%dma_wait3A_247 : memref<977x128xf32, #tpu.memory_space<hbm>>) dst(%dma_wait3A_241 : memref<128x128xf32, #tpu.memory_space<vmem>>)
    %dma_wait3A_248 = arith.constant 2 : i32
    %dma_wait3A_249 = arith.constant 0 : i32
    %dma_wait3A_250 = arith.constant 0 : i32
    %dma_wait3A_251 = arith.constant 0 : i32
    %dma_wait3A_252 = tpu.memref_slice %arg10[%dma_wait3A_249, %dma_wait3A_250, %dma_wait3A_251] : memref<2x128x128xf32, #tpu.memory_space<vmem>> -> memref<1x128x128xf32, #tpu.memory_space<vmem>>
    %dma_wait3A_253 = tpu.memref_squeeze %dma_wait3A_252 : memref<1x128x128xf32, #tpu.memory_space<vmem>> -> memref<128x128xf32, #tpu.memory_space<vmem>>
    %dma_wait3A_254 = arith.constant 0 : i32
    %dma_wait3A_255 = tpu.memref_slice %arg8[%dma_wait3A_248, %dma_wait3A_254] : memref<4x128xi32, #tpu.memory_space<vmem>> -> memref<1x128xi32, #tpu.memory_space<vmem>>
    %dma_wait3A_256 = tpu.memref_squeeze %dma_wait3A_255 : memref<1x128xi32, #tpu.memory_space<vmem>> -> memref<128xi32, #tpu.memory_space<vmem>>
    %dma_wait3A_257 = arith.constant 0 : i32
    %dma_wait3A_258 = arith.constant 0 : i32
    %dma_wait3A_259 = tpu.memref_slice %arg4[%dma_wait3A_257, %dma_wait3A_258] : memref<1024x128xf32, #tpu.memory_space<hbm>> -> memref<1024x128xf32, #tpu.memory_space<hbm>>
    tpu.wait_indirect_dma semaphore(%arg14 : memref<!tpu.dma_semaphore, #tpu.memory_space<semaphore_mem>>) src(%dma_wait3A_259 : memref<1024x128xf32, #tpu.memory_space<hbm>>) dst(%dma_wait3A_253 : memref<128x128xf32, #tpu.memory_space<vmem>>)
    %scan3A_260 = arith.constant 0 : i32
    %scan3A_261 = arith.constant 0 : i32
    %scan3A_262 = arith.constant 128 : i32
    %scan3A_263 = arith.addi %scan3A_261, %scan3A_262 : i32
    %scan3A_264 = arith.constant 1 : i32
    scf.for %scan3A_352 = %scan3A_261 to %scan3A_263 step %scan3A_264  : i32 {
      %get3A = arith.constant 0 : i32
      %get3A_353 = arith.index_cast %get3A : i32 to index
      %get3A_354 = arith.index_cast %scan3A_352 : i32 to index
      %get3A_355 = arith.constant 0 : index
      %get3A_356 = tpu.vector_load %arg9[%get3A_353, %get3A_354, %get3A_355] {strides = array<i32>} : memref<2x128x128xf32, #tpu.memory_space<vmem>>, vector<1x1x16xf32>,
      %get3A_357 = vector.shape_cast %get3A_356 : vector<1x1x16xf32> to vector<16xf32>
      %get3A_358 = arith.constant 0 : i32
      %get3A_359 = arith.index_cast %get3A_358 : i32 to index
      %get3A_360 = arith.index_cast %scan3A_352 : i32 to index
      %get3A_361 = arith.constant 0 : index
      %get3A_362 = tpu.vector_load %arg10[%get3A_359, %get3A_360, %get3A_361] {strides = array<i32>} : memref<2x128x128xf32, #tpu.memory_space<vmem>>, vector<1x1x16xf32>,
      %get3A_363 = vector.shape_cast %get3A_362 : vector<1x1x16xf32> to vector<16xf32>
      %mul3A_364 = arith.mulf %get3A_357, %get3A_363 : vector<16xf32>
      %swap3A = arith.constant 0 : i32
      %swap3A_365 = arith.index_cast %swap3A : i32 to index
      %swap3A_366 = arith.index_cast %scan3A_352 : i32 to index
      %swap3A_367 = arith.constant 0 : index
      %swap3A_368 = tpu.vector_load %arg11[%swap3A_365, %swap3A_366, %swap3A_367] {strides = array<i32>} : memref<2x128x64xf32, #tpu.memory_space<vmem>>, vector<1x1x16xf32>,
      %swap3A_369 = vector.shape_cast %swap3A_368 : vector<1x1x16xf32> to vector<16xf32>
      %swap3A_370 = vector.shape_cast %mul3A_364 : vector<16xf32> to vector<1x1x16xf32>
      tpu.vector_store %arg11[%swap3A_365, %swap3A_366, %swap3A_367], %swap3A_370 {strides = array<i32>} : memref<2x128x64xf32, #tpu.memory_space<vmem>>, vector<1x1x16xf32>,
      %get3A_371 = arith.constant 0 : i32
      %get3A_372 = arith.index_cast %get3A_371 : i32 to index
      %get3A_373 = arith.index_cast %scan3A_352 : i32 to index
      %get3A_374 = arith.constant 16 : index
      %get3A_375 = tpu.vector_load %arg9[%get3A_372, %get3A_373, %get3A_374] {strides = array<i32>} : memref<2x128x128xf32, #tpu.memory_space<vmem>>, vector<1x1x16xf32>,
      %get3A_376 = vector.shape_cast %get3A_375 : vector<1x1x16xf32> to vector<16xf32>
      %get3A_377 = arith.constant 0 : i32
      %get3A_378 = arith.index_cast %get3A_377 : i32 to index
      %get3A_379 = arith.index_cast %scan3A_352 : i32 to index
      %get3A_380 = arith.constant 16 : index
      %get3A_381 = tpu.vector_load %arg10[%get3A_378, %get3A_379, %get3A_380] {strides = array<i32>} : memref<2x128x128xf32, #tpu.memory_space<vmem>>, vector<1x1x16xf32>,
      %get3A_382 = vector.shape_cast %get3A_381 : vector<1x1x16xf32> to vector<16xf32>
      %mul3A_383 = arith.mulf %get3A_376, %get3A_382 : vector<16xf32>
      %swap3A_384 = arith.constant 0 : i32
      %swap3A_385 = arith.index_cast %swap3A_384 : i32 to index
      %swap3A_386 = arith.index_cast %scan3A_352 : i32 to index
      %swap3A_387 = arith.constant 16 : index
      %swap3A_388 = tpu.vector_load %arg11[%swap3A_385, %swap3A_386, %swap3A_387] {strides = array<i32>} : memref<2x128x64xf32, #tpu.memory_space<vmem>>, vector<1x1x16xf32>,
      %swap3A_389 = vector.shape_cast %swap3A_388 : vector<1x1x16xf32> to vector<16xf32>
      %swap3A_390 = vector.shape_cast %mul3A_383 : vector<16xf32> to vector<1x1x16xf32>
      tpu.vector_store %arg11[%swap3A_385, %swap3A_386, %swap3A_387], %swap3A_390 {strides = array<i32>} : memref<2x128x64xf32, #tpu.memory_space<vmem>>, vector<1x1x16xf32>,
      %get3A_391 = arith.constant 0 : i32
      %get3A_392 = arith.index_cast %get3A_391 : i32 to index
      %get3A_393 = arith.index_cast %scan3A_352 : i32 to index
      %get3A_394 = arith.constant 32 : index
      %get3A_395 = tpu.vector_load %arg9[%get3A_392, %get3A_393, %get3A_394] {strides = array<i32>} : memref<2x128x128xf32, #tpu.memory_space<vmem>>, vector<1x1x16xf32>,
      %get3A_396 = vector.shape_cast %get3A_395 : vector<1x1x16xf32> to vector<16xf32>
      %get3A_397 = arith.constant 0 : i32
      %get3A_398 = arith.index_cast %get3A_397 : i32 to index
      %get3A_399 = arith.index_cast %scan3A_352 : i32 to index
      %get3A_400 = arith.constant 32 : index
      %get3A_401 = tpu.vector_load %arg10[%get3A_398, %get3A_399, %get3A_400] {strides = array<i32>} : memref<2x128x128xf32, #tpu.memory_space<vmem>>, vector<1x1x16xf32>,
      %get3A_402 = vector.shape_cast %get3A_401 : vector<1x1x16xf32> to vector<16xf32>
      %mul3A_403 = arith.mulf %get3A_396, %get3A_402 : vector<16xf32>
      %swap3A_404 = arith.constant 0 : i32
      %swap3A_405 = arith.index_cast %swap3A_404 : i32 to index
      %swap3A_406 = arith.index_cast %scan3A_352 : i32 to index
      %swap3A_407 = arith.constant 32 : index
      %swap3A_408 = tpu.vector_load %arg11[%swap3A_405, %swap3A_406, %swap3A_407] {strides = array<i32>} : memref<2x128x64xf32, #tpu.memory_space<vmem>>, vector<1x1x16xf32>,
      %swap3A_409 = vector.shape_cast %swap3A_408 : vector<1x1x16xf32> to vector<16xf32>
      %swap3A_410 = vector.shape_cast %mul3A_403 : vector<16xf32> to vector<1x1x16xf32>
      tpu.vector_store %arg11[%swap3A_405, %swap3A_406, %swap3A_407], %swap3A_410 {strides = array<i32>} : memref<2x128x64xf32, #tpu.memory_space<vmem>>, vector<1x1x16xf32>,
      %get3A_411 = arith.constant 0 : i32
      %get3A_412 = arith.index_cast %get3A_411 : i32 to index
      %get3A_413 = arith.index_cast %scan3A_352 : i32 to index
      %get3A_414 = arith.constant 48 : index
      %get3A_415 = tpu.vector_load %arg9[%get3A_412, %get3A_413, %get3A_414] {strides = array<i32>} : memref<2x128x128xf32, #tpu.memory_space<vmem>>, vector<1x1x16xf32>,
      %get3A_416 = vector.shape_cast %get3A_415 : vector<1x1x16xf32> to vector<16xf32>
      %get3A_417 = arith.constant 0 : i32
      %get3A_418 = arith.index_cast %get3A_417 : i32 to index
      %get3A_419 = arith.index_cast %scan3A_352 : i32 to index
      %get3A_420 = arith.constant 48 : index
      %get3A_421 = tpu.vector_load %arg10[%get3A_418, %get3A_419, %get3A_420] {strides = array<i32>} : memref<2x128x128xf32, #tpu.memory_space<vmem>>, vector<1x1x16xf32>,
      %get3A_422 = vector.shape_cast %get3A_421 : vector<1x1x16xf32> to vector<16xf32>
      %mul3A_423 = arith.mulf %get3A_416, %get3A_422 : vector<16xf32>
      %swap3A_424 = arith.constant 0 : i32
      %swap3A_425 = arith.index_cast %swap3A_424 : i32 to index
      %swap3A_426 = arith.index_cast %scan3A_352 : i32 to index
      %swap3A_427 = arith.constant 48 : index
      %swap3A_428 = tpu.vector_load %arg11[%swap3A_425, %swap3A_426, %swap3A_427] {strides = array<i32>} : memref<2x128x64xf32, #tpu.memory_space<vmem>>, vector<1x1x16xf32>,
      %swap3A_429 = vector.shape_cast %swap3A_428 : vector<1x1x16xf32> to vector<16xf32>
      %swap3A_430 = vector.shape_cast %mul3A_423 : vector<16xf32> to vector<1x1x16xf32>
      tpu.vector_store %arg11[%swap3A_425, %swap3A_426, %swap3A_427], %swap3A_430 {strides = array<i32>} : memref<2x128x64xf32, #tpu.memory_space<vmem>>, vector<1x1x16xf32>,
    }
    %scan3A_265 = arith.constant 128 : i32
    %add3A_266 = arith.constant 256 : i32
    %add3A_267 = arith.addi %mul3A_2, %add3A_266 : i32
    %dma_start3A_268 = arith.constant 0 : i32
    %dma_start3A_269 = arith.constant 0 : i32
    %dma_start3A_270 = arith.constant 0 : i32
    %dma_start3A_271 = tpu.memref_slice %arg11[%dma_start3A_268, %dma_start3A_269, %dma_start3A_270] : memref<2x128x64xf32, #tpu.memory_space<vmem>> -> memref<1x128x64xf32, #tpu.memory_space<vmem>>
    %dma_start3A_272 = tpu.memref_squeeze %dma_start3A_271 : memref<1x128x64xf32, #tpu.memory_space<vmem>> -> memref<128x64xf32, #tpu.memory_space<vmem>>
    %dma_start3A_273 = arith.constant 0 : i32
    %dma_start3A_274 = tpu.memref_slice %arg5[%add3A_267, %dma_start3A_273] : memref<16384x64xf32, #tpu.memory_space<hbm>> -> memref<128x64xf32, #tpu.memory_space<hbm>>
    %dma_start3A_275 = arith.constant 0 : i32
    %dma_start3A_276 = tpu.memref_slice %arg5[%add3A_267, %dma_start3A_275] : memref<16384x64xf32, #tpu.memory_space<hbm>> -> memref<128x64xf32, #tpu.memory_space<hbm>>
    %dma_start3A_277 = arith.constant 0 : i32
    %dma_start3A_278 = arith.constant 0 : i32
    %dma_start3A_279 = tpu.memref_slice %arg11[%dma_start3A_268, %dma_start3A_277, %dma_start3A_278] : memref<2x128x64xf32, #tpu.memory_space<vmem>> -> memref<1x128x64xf32, #tpu.memory_space<vmem>>
    %dma_start3A_280 = tpu.memref_squeeze %dma_start3A_279 : memref<1x128x64xf32, #tpu.memory_space<vmem>> -> memref<128x64xf32, #tpu.memory_space<vmem>>
    tpu.enqueue_dma source(%dma_start3A_280 : memref<128x64xf32, #tpu.memory_space<vmem>>) target(%dma_start3A_276 : memref<128x64xf32, #tpu.memory_space<hbm>>) target_semaphore(%arg16 : memref<!tpu.dma_semaphore, #tpu.memory_space<semaphore_mem>>)
    %dma_wait3A_281 = arith.constant 3 : i32
    %dma_wait3A_282 = arith.constant 1 : i32
    %dma_wait3A_283 = arith.constant 0 : i32
    %dma_wait3A_284 = arith.constant 0 : i32
    %dma_wait3A_285 = tpu.memref_slice %arg9[%dma_wait3A_282, %dma_wait3A_283, %dma_wait3A_284] : memref<2x128x128xf32, #tpu.memory_space<vmem>> -> memref<1x128x128xf32, #tpu.memory_space<vmem>>
    %dma_wait3A_286 = tpu.memref_squeeze %dma_wait3A_285 : memref<1x128x128xf32, #tpu.memory_space<vmem>> -> memref<128x128xf32, #tpu.memory_space<vmem>>
    %dma_wait3A_287 = arith.constant 0 : i32
    %dma_wait3A_288 = tpu.memref_slice %arg7[%dma_wait3A_281, %dma_wait3A_287] : memref<4x128xi32, #tpu.memory_space<vmem>> -> memref<1x128xi32, #tpu.memory_space<vmem>>
    %dma_wait3A_289 = tpu.memref_squeeze %dma_wait3A_288 : memref<1x128xi32, #tpu.memory_space<vmem>> -> memref<128xi32, #tpu.memory_space<vmem>>
    %dma_wait3A_290 = arith.constant 0 : i32
    %dma_wait3A_291 = arith.constant 0 : i32
    %dma_wait3A_292 = tpu.memref_slice %arg3[%dma_wait3A_290, %dma_wait3A_291] : memref<977x128xf32, #tpu.memory_space<hbm>> -> memref<977x128xf32, #tpu.memory_space<hbm>>
    tpu.wait_indirect_dma semaphore(%arg13 : memref<!tpu.dma_semaphore, #tpu.memory_space<semaphore_mem>>) src(%dma_wait3A_292 : memref<977x128xf32, #tpu.memory_space<hbm>>) dst(%dma_wait3A_286 : memref<128x128xf32, #tpu.memory_space<vmem>>)
    %dma_wait3A_293 = arith.constant 3 : i32
    %dma_wait3A_294 = arith.constant 1 : i32
    %dma_wait3A_295 = arith.constant 0 : i32
    %dma_wait3A_296 = arith.constant 0 : i32
    %dma_wait3A_297 = tpu.memref_slice %arg10[%dma_wait3A_294, %dma_wait3A_295, %dma_wait3A_296] : memref<2x128x128xf32, #tpu.memory_space<vmem>> -> memref<1x128x128xf32, #tpu.memory_space<vmem>>
    %dma_wait3A_298 = tpu.memref_squeeze %dma_wait3A_297 : memref<1x128x128xf32, #tpu.memory_space<vmem>> -> memref<128x128xf32, #tpu.memory_space<vmem>>
    %dma_wait3A_299 = arith.constant 0 : i32
    %dma_wait3A_300 = tpu.memref_slice %arg8[%dma_wait3A_293, %dma_wait3A_299] : memref<4x128xi32, #tpu.memory_space<vmem>> -> memref<1x128xi32, #tpu.memory_space<vmem>>
    %dma_wait3A_301 = tpu.memref_squeeze %dma_wait3A_300 : memref<1x128xi32, #tpu.memory_space<vmem>> -> memref<128xi32, #tpu.memory_space<vmem>>
    %dma_wait3A_302 = arith.constant 0 : i32
    %dma_wait3A_303 = arith.constant 0 : i32
    %dma_wait3A_304 = tpu.memref_slice %arg4[%dma_wait3A_302, %dma_wait3A_303] : memref<1024x128xf32, #tpu.memory_space<hbm>> -> memref<1024x128xf32, #tpu.memory_space<hbm>>
    tpu.wait_indirect_dma semaphore(%arg15 : memref<!tpu.dma_semaphore, #tpu.memory_space<semaphore_mem>>) src(%dma_wait3A_304 : memref<1024x128xf32, #tpu.memory_space<hbm>>) dst(%dma_wait3A_298 : memref<128x128xf32, #tpu.memory_space<vmem>>)
    %scan3A_305 = arith.constant 0 : i32
    %scan3A_306 = arith.constant 0 : i32
    %scan3A_307 = arith.constant 128 : i32
    %scan3A_308 = arith.addi %scan3A_306, %scan3A_307 : i32
    %scan3A_309 = arith.constant 1 : i32
    scf.for %scan3A_352 = %scan3A_306 to %scan3A_308 step %scan3A_309  : i32 {
      %get3A = arith.constant 1 : i32
      %get3A_353 = arith.index_cast %get3A : i32 to index
      %get3A_354 = arith.index_cast %scan3A_352 : i32 to index
      %get3A_355 = arith.constant 0 : index
      %get3A_356 = tpu.vector_load %arg9[%get3A_353, %get3A_354, %get3A_355] {strides = array<i32>} : memref<2x128x128xf32, #tpu.memory_space<vmem>>, vector<1x1x16xf32>,
      %get3A_357 = vector.shape_cast %get3A_356 : vector<1x1x16xf32> to vector<16xf32>
      %get3A_358 = arith.constant 1 : i32
      %get3A_359 = arith.index_cast %get3A_358 : i32 to index
      %get3A_360 = arith.index_cast %scan3A_352 : i32 to index
      %get3A_361 = arith.constant 0 : index
      %get3A_362 = tpu.vector_load %arg10[%get3A_359, %get3A_360, %get3A_361] {strides = array<i32>} : memref<2x128x128xf32, #tpu.memory_space<vmem>>, vector<1x1x16xf32>,
      %get3A_363 = vector.shape_cast %get3A_362 : vector<1x1x16xf32> to vector<16xf32>
      %mul3A_364 = arith.mulf %get3A_357, %get3A_363 : vector<16xf32>
      %swap3A = arith.constant 1 : i32
      %swap3A_365 = arith.index_cast %swap3A : i32 to index
      %swap3A_366 = arith.index_cast %scan3A_352 : i32 to index
      %swap3A_367 = arith.constant 0 : index
      %swap3A_368 = tpu.vector_load %arg11[%swap3A_365, %swap3A_366, %swap3A_367] {strides = array<i32>} : memref<2x128x64xf32, #tpu.memory_space<vmem>>, vector<1x1x16xf32>,
      %swap3A_369 = vector.shape_cast %swap3A_368 : vector<1x1x16xf32> to vector<16xf32>
      %swap3A_370 = vector.shape_cast %mul3A_364 : vector<16xf32> to vector<1x1x16xf32>
      tpu.vector_store %arg11[%swap3A_365, %swap3A_366, %swap3A_367], %swap3A_370 {strides = array<i32>} : memref<2x128x64xf32, #tpu.memory_space<vmem>>, vector<1x1x16xf32>,
      %get3A_371 = arith.constant 1 : i32
      %get3A_372 = arith.index_cast %get3A_371 : i32 to index
      %get3A_373 = arith.index_cast %scan3A_352 : i32 to index
      %get3A_374 = arith.constant 16 : index
      %get3A_375 = tpu.vector_load %arg9[%get3A_372, %get3A_373, %get3A_374] {strides = array<i32>} : memref<2x128x128xf32, #tpu.memory_space<vmem>>, vector<1x1x16xf32>,
      %get3A_376 = vector.shape_cast %get3A_375 : vector<1x1x16xf32> to vector<16xf32>
      %get3A_377 = arith.constant 1 : i32
      %get3A_378 = arith.index_cast %get3A_377 : i32 to index
      %get3A_379 = arith.index_cast %scan3A_352 : i32 to index
      %get3A_380 = arith.constant 16 : index
      %get3A_381 = tpu.vector_load %arg10[%get3A_378, %get3A_379, %get3A_380] {strides = array<i32>} : memref<2x128x128xf32, #tpu.memory_space<vmem>>, vector<1x1x16xf32>,
      %get3A_382 = vector.shape_cast %get3A_381 : vector<1x1x16xf32> to vector<16xf32>
      %mul3A_383 = arith.mulf %get3A_376, %get3A_382 : vector<16xf32>
      %swap3A_384 = arith.constant 1 : i32
      %swap3A_385 = arith.index_cast %swap3A_384 : i32 to index
      %swap3A_386 = arith.index_cast %scan3A_352 : i32 to index
      %swap3A_387 = arith.constant 16 : index
      %swap3A_388 = tpu.vector_load %arg11[%swap3A_385, %swap3A_386, %swap3A_387] {strides = array<i32>} : memref<2x128x64xf32, #tpu.memory_space<vmem>>, vector<1x1x16xf32>,
      %swap3A_389 = vector.shape_cast %swap3A_388 : vector<1x1x16xf32> to vector<16xf32>
      %swap3A_390 = vector.shape_cast %mul3A_383 : vector<16xf32> to vector<1x1x16xf32>
      tpu.vector_store %arg11[%swap3A_385, %swap3A_386, %swap3A_387], %swap3A_390 {strides = array<i32>} : memref<2x128x64xf32, #tpu.memory_space<vmem>>, vector<1x1x16xf32>,
      %get3A_391 = arith.constant 1 : i32
      %get3A_392 = arith.index_cast %get3A_391 : i32 to index
      %get3A_393 = arith.index_cast %scan3A_352 : i32 to index
      %get3A_394 = arith.constant 32 : index
      %get3A_395 = tpu.vector_load %arg9[%get3A_392, %get3A_393, %get3A_394] {strides = array<i32>} : memref<2x128x128xf32, #tpu.memory_space<vmem>>, vector<1x1x16xf32>,
      %get3A_396 = vector.shape_cast %get3A_395 : vector<1x1x16xf32> to vector<16xf32>
      %get3A_397 = arith.constant 1 : i32
      %get3A_398 = arith.index_cast %get3A_397 : i32 to index
      %get3A_399 = arith.index_cast %scan3A_352 : i32 to index
      %get3A_400 = arith.constant 32 : index
      %get3A_401 = tpu.vector_load %arg10[%get3A_398, %get3A_399, %get3A_400] {strides = array<i32>} : memref<2x128x128xf32, #tpu.memory_space<vmem>>, vector<1x1x16xf32>,
      %get3A_402 = vector.shape_cast %get3A_401 : vector<1x1x16xf32> to vector<16xf32>
      %mul3A_403 = arith.mulf %get3A_396, %get3A_402 : vector<16xf32>
      %swap3A_404 = arith.constant 1 : i32
      %swap3A_405 = arith.index_cast %swap3A_404 : i32 to index
      %swap3A_406 = arith.index_cast %scan3A_352 : i32 to index
      %swap3A_407 = arith.constant 32 : index
      %swap3A_408 = tpu.vector_load %arg11[%swap3A_405, %swap3A_406, %swap3A_407] {strides = array<i32>} : memref<2x128x64xf32, #tpu.memory_space<vmem>>, vector<1x1x16xf32>,
      %swap3A_409 = vector.shape_cast %swap3A_408 : vector<1x1x16xf32> to vector<16xf32>
      %swap3A_410 = vector.shape_cast %mul3A_403 : vector<16xf32> to vector<1x1x16xf32>
      tpu.vector_store %arg11[%swap3A_405, %swap3A_406, %swap3A_407], %swap3A_410 {strides = array<i32>} : memref<2x128x64xf32, #tpu.memory_space<vmem>>, vector<1x1x16xf32>,
      %get3A_411 = arith.constant 1 : i32
      %get3A_412 = arith.index_cast %get3A_411 : i32 to index
      %get3A_413 = arith.index_cast %scan3A_352 : i32 to index
      %get3A_414 = arith.constant 48 : index
      %get3A_415 = tpu.vector_load %arg9[%get3A_412, %get3A_413, %get3A_414] {strides = array<i32>} : memref<2x128x128xf32, #tpu.memory_space<vmem>>, vector<1x1x16xf32>,
      %get3A_416 = vector.shape_cast %get3A_415 : vector<1x1x16xf32> to vector<16xf32>
      %get3A_417 = arith.constant 1 : i32
      %get3A_418 = arith.index_cast %get3A_417 : i32 to index
      %get3A_419 = arith.index_cast %scan3A_352 : i32 to index
      %get3A_420 = arith.constant 48 : index
      %get3A_421 = tpu.vector_load %arg10[%get3A_418, %get3A_419, %get3A_420] {strides = array<i32>} : memref<2x128x128xf32, #tpu.memory_space<vmem>>, vector<1x1x16xf32>,
      %get3A_422 = vector.shape_cast %get3A_421 : vector<1x1x16xf32> to vector<16xf32>
      %mul3A_423 = arith.mulf %get3A_416, %get3A_422 : vector<16xf32>
      %swap3A_424 = arith.constant 1 : i32
      %swap3A_425 = arith.index_cast %swap3A_424 : i32 to index
      %swap3A_426 = arith.index_cast %scan3A_352 : i32 to index
      %swap3A_427 = arith.constant 48 : index
      %swap3A_428 = tpu.vector_load %arg11[%swap3A_425, %swap3A_426, %swap3A_427] {strides = array<i32>} : memref<2x128x64xf32, #tpu.memory_space<vmem>>, vector<1x1x16xf32>,
      %swap3A_429 = vector.shape_cast %swap3A_428 : vector<1x1x16xf32> to vector<16xf32>
      %swap3A_430 = vector.shape_cast %mul3A_423 : vector<16xf32> to vector<1x1x16xf32>
      tpu.vector_store %arg11[%swap3A_425, %swap3A_426, %swap3A_427], %swap3A_430 {strides = array<i32>} : memref<2x128x64xf32, #tpu.memory_space<vmem>>, vector<1x1x16xf32>,
    }
    %scan3A_310 = arith.constant 128 : i32
    %add3A_311 = arith.constant 384 : i32
    %add3A_312 = arith.addi %mul3A_2, %add3A_311 : i32
    %dma_start3A_313 = arith.constant 1 : i32
    %dma_start3A_314 = arith.constant 0 : i32
    %dma_start3A_315 = arith.constant 0 : i32
    %dma_start3A_316 = tpu.memref_slice %arg11[%dma_start3A_313, %dma_start3A_314, %dma_start3A_315] : memref<2x128x64xf32, #tpu.memory_space<vmem>> -> memref<1x128x64xf32, #tpu.memory_space<vmem>>
    %dma_start3A_317 = tpu.memref_squeeze %dma_start3A_316 : memref<1x128x64xf32, #tpu.memory_space<vmem>> -> memref<128x64xf32, #tpu.memory_space<vmem>>
    %dma_start3A_318 = arith.constant 0 : i32
    %dma_start3A_319 = tpu.memref_slice %arg5[%add3A_312, %dma_start3A_318] : memref<16384x64xf32, #tpu.memory_space<hbm>> -> memref<128x64xf32, #tpu.memory_space<hbm>>
    %dma_start3A_320 = arith.constant 0 : i32
    %dma_start3A_321 = tpu.memref_slice %arg5[%add3A_312, %dma_start3A_320] : memref<16384x64xf32, #tpu.memory_space<hbm>> -> memref<128x64xf32, #tpu.memory_space<hbm>>
    %dma_start3A_322 = arith.constant 0 : i32
    %dma_start3A_323 = arith.constant 0 : i32
    %dma_start3A_324 = tpu.memref_slice %arg11[%dma_start3A_313, %dma_start3A_322, %dma_start3A_323] : memref<2x128x64xf32, #tpu.memory_space<vmem>> -> memref<1x128x64xf32, #tpu.memory_space<vmem>>
    %dma_start3A_325 = tpu.memref_squeeze %dma_start3A_324 : memref<1x128x64xf32, #tpu.memory_space<vmem>> -> memref<128x64xf32, #tpu.memory_space<vmem>>
    tpu.enqueue_dma source(%dma_start3A_325 : memref<128x64xf32, #tpu.memory_space<vmem>>) target(%dma_start3A_321 : memref<128x64xf32, #tpu.memory_space<hbm>>) target_semaphore(%arg17 : memref<!tpu.dma_semaphore, #tpu.memory_space<semaphore_mem>>)
    %dma_wait3A_326 = arith.constant 0 : i32
    %dma_wait3A_327 = arith.constant 0 : i32
    %dma_wait3A_328 = arith.constant 0 : i32
    %dma_wait3A_329 = tpu.memref_slice %arg11[%dma_wait3A_326, %dma_wait3A_327, %dma_wait3A_328] : memref<2x128x64xf32, #tpu.memory_space<vmem>> -> memref<1x128x64xf32, #tpu.memory_space<vmem>>
    %dma_wait3A_330 = tpu.memref_squeeze %dma_wait3A_329 : memref<1x128x64xf32, #tpu.memory_space<vmem>> -> memref<128x64xf32, #tpu.memory_space<vmem>>
    %dma_wait3A_331 = arith.constant 0 : i32
    %dma_wait3A_332 = tpu.memref_slice %arg5[%add3A_267, %dma_wait3A_331] : memref<16384x64xf32, #tpu.memory_space<hbm>> -> memref<128x64xf32, #tpu.memory_space<hbm>>
    %dma_wait3A_333 = arith.constant 0 : i32
    %dma_wait3A_334 = tpu.memref_slice %arg5[%add3A_267, %dma_wait3A_333] : memref<16384x64xf32, #tpu.memory_space<hbm>> -> memref<128x64xf32, #tpu.memory_space<hbm>>
    %dma_wait3A_335 = arith.constant 0 : i32
    %dma_wait3A_336 = arith.constant 0 : i32
    %dma_wait3A_337 = tpu.memref_slice %arg11[%dma_wait3A_326, %dma_wait3A_335, %dma_wait3A_336] : memref<2x128x64xf32, #tpu.memory_space<vmem>> -> memref<1x128x64xf32, #tpu.memory_space<vmem>>
    %dma_wait3A_338 = tpu.memref_squeeze %dma_wait3A_337 : memref<1x128x64xf32, #tpu.memory_space<vmem>> -> memref<128x64xf32, #tpu.memory_space<vmem>>
    tpu.wait_dma2 semaphore(%arg16 : memref<!tpu.dma_semaphore, #tpu.memory_space<semaphore_mem>>) src(%dma_wait3A_338 : memref<128x64xf32, #tpu.memory_space<vmem>>) dst(%dma_wait3A_334 : memref<128x64xf32, #tpu.memory_space<hbm>>)
    %dma_wait3A_339 = arith.constant 1 : i32
    %dma_wait3A_340 = arith.constant 0 : i32
    %dma_wait3A_341 = arith.constant 0 : i32
    %dma_wait3A_342 = tpu.memref_slice %arg11[%dma_wait3A_339, %dma_wait3A_340, %dma_wait3A_341] : memref<2x128x64xf32, #tpu.memory_space<vmem>> -> memref<1x128x64xf32, #tpu.memory_space<vmem>>
    %dma_wait3A_343 = tpu.memref_squeeze %dma_wait3A_342 : memref<1x128x64xf32, #tpu.memory_space<vmem>> -> memref<128x64xf32, #tpu.memory_space<vmem>>
    %dma_wait3A_344 = arith.constant 0 : i32
    %dma_wait3A_345 = tpu.memref_slice %arg5[%add3A_312, %dma_wait3A_344] : memref<16384x64xf32, #tpu.memory_space<hbm>> -> memref<128x64xf32, #tpu.memory_space<hbm>>
    %dma_wait3A_346 = arith.constant 0 : i32
    %dma_wait3A_347 = tpu.memref_slice %arg5[%add3A_312, %dma_wait3A_346] : memref<16384x64xf32, #tpu.memory_space<hbm>> -> memref<128x64xf32, #tpu.memory_space<hbm>>
    %dma_wait3A_348 = arith.constant 0 : i32
    %dma_wait3A_349 = arith.constant 0 : i32
    %dma_wait3A_350 = tpu.memref_slice %arg11[%dma_wait3A_339, %dma_wait3A_348, %dma_wait3A_349] : memref<2x128x64xf32, #tpu.memory_space<vmem>> -> memref<1x128x64xf32, #tpu.memory_space<vmem>>
    %dma_wait3A_351 = tpu.memref_squeeze %dma_wait3A_350 : memref<1x128x64xf32, #tpu.memory_space<vmem>> -> memref<128x64xf32, #tpu.memory_space<vmem>>
    tpu.wait_dma2 semaphore(%arg17 : memref<!tpu.dma_semaphore, #tpu.memory_space<semaphore_mem>>) src(%dma_wait3A_351 : memref<128x64xf32, #tpu.memory_space<vmem>>) dst(%dma_wait3A_347 : memref<128x64xf32, #tpu.memory_space<hbm>>)
    return
  }
}

</mosaic_0001>

<sc_bundles>
// kernel: kernel.3.cloned.1.call-start
scs
__scs_entry_jumppad:
0x0: {  	(pc) =	sbr.rel $0x88, $3  }
0x1: {  	(tag) =	ssettag $0x0;
	lr =	simm.s32 $0x1  }
0x2: {  	[smem:$0x3F9E] =	sst lr;
	_ =	strace $0xD0000000  }
0x3: {  	_ = 	snop  }
0x4: {  	_ = 	snop  }
0x5: {  	_ = 	snop  }
0x6: {  	_ = 	snop  }
0x7: {  	_ = 	snop  }
__scs_overlays_trampoline_lowered:
0x8: {  	[smem:$0x3FAD] =	sst s0  }
0x9: {  	[smem:$0x3FAE] =	sst s1  }
0xa: {  	[smem:$0x3FAF] =	sst s2  }
0xb: {  	[smem:$0x3FB0] =	sst s3  }
0xc: {  	[smem:$0x3FB1] =	sst s4  }
0xd: {  	[smem:$0x3FB2] =	sst s5  }
0xe: {  	[smem:$0x3FB3] =	sst s6  }
0xf: {  	[smem:$0x3FB4] =	sst s7  }
0x10: {  	[smem:$0x3FB5] =	sst s8  }
0x11: {  	[smem:$0x3FB6] =	sst s9;
	s0 =	simm.s32 @!p0 $0x0  }
0x12: {  	s1 =	sld [smem:$0x3F9C];
	s0 =	simm.s32 @p0 $0x1  }
0x13: {  	[smem:$0x3FB7] =	sst s0;
	s0 =	simm.s32 @!p1 $0x0  }
0x14: {  	s2 =	sld [smem:$0x3F9B];
	s0 =	simm.s32 @p1 $0x1  }
0x15: {  	[smem:$0x3FB8] =	sst s0;
	s0 =	simm.s32 @!p2 $0x0  }
0x16: {  	s3 =	sld [smem:$0x3FDB];
	s0 =	simm.s32 @p2 $0x1  }
0x17: {  	s4 =	simm.s32 $0x1BF5;
	[smem:$0x3FBA] =	sst s0  }
0x18: {  	s0 =	sld [smem:$0x3F9D];
	_ =	swait.ge [sflag:s4], $0x0  }
0x19: {  	s7 =	sld [smem:$0x3F9E]  }
0x1a: {  	s8 =	sadd.s32 $0xFFFFE003, lr  }
0x1b: {  	s9 =	sadd.s32 $0xFFFFFEF7, lr;
	s5 =	simm.s32 $0xFFFFFFFF;
	p2 =	slt.u32 s8, $0xFFFFF086  }
0x1c: {  	p1 =	slt.u32 s9, $0xF7A;
	s5 =	simm.s32 @!p2 $0x0  }
0x1d: {  	s5 =	simm.s32 @p1 $0x1;
	p0 =	seq.s32 s7, s2  }
0x1e: {  	s7 =	smul.u32 @!p0 $0xF7A, s2;
	p2 =	seq.s32 @!p0 s5, $0x0  }
0x1f: {  	s9 =	smul.u32 $0xF7A, s1;
	s8 =	simm.s32 @!p0 $0x1BF5;
	p2 =	por !p2, p0  }
0x20: {  	[sflag:s8] =	ssyncset.s32 @!p0 $0xFFFFF086;
	s6 =	sadd.s32 @!p0 s3, s7;
	s7 =	simm.s32 @!p0 $0x108  }
0x21: {  	s3 =	sadd.s32 s3, s9;
	s6 =	sadd.s32 @!p0 $0x88, s6;
	s7 =	simm.s32 @p2 $0x1082  }
0x22: {  	[simem:s7], [sflag:s8] =	dma.local @!p0 [hbm:s6], $0xF7A  }
0x23: {  	s9 =	sor.u32 $0xD0000000, s2;
	s6 =	simm.s32 $0x108;
	_ =	swait.ge @!p0 [sflag:s8], $0x0  }
0x24: {  	s3 =	sadd.s32 $0x88, s3;
	s6 =	simm.s32 @!p1 $0x1082;
	[sflag:s4] =	ssyncset.s32 $0xFFFFF086  }
0x25: {  	[simem:s6], [sflag:s4] =	dma.local [hbm:s3], $0xF7A  }
0x26: {  	[smem:$0x3F9E] =	sst s1;
	(tag) =	ssettag s2;
	_ =	strace s9  }
0x27: {  	s1 =	sld [smem:$0x3FAE]  }
0x28: {  	s2 =	sld [smem:$0x3FAF]  }
0x29: {  	s4 =	sld [smem:$0x3FB1]  }
0x2a: {  	p0 =	seq.s32 s5, $0x0;
	s5 =	sld [smem:$0x3FB2]  }
0x2b: {  	s6 =	sld [smem:$0x3FB3]  }
0x2c: {  	s7 =	sld [smem:$0x3FB4]  }
0x2d: {  	s3 =	simm.s32 $0x108;
	s8 =	sld [smem:$0x3FB5]  }
0x2e: {  	s3 =	simm.s32 @!p0 $0x1082;
	s9 =	sld [smem:$0x3FB6]  }
0x2f: {  	lr =	sadd.s32 s0, s3;
	s0 =	sld [smem:$0x3FAD]  }
0x30: {  	s3 =	sld [smem:$0x3FB0]  }
0x31: {  	[smem:$0x3FB9] =	sst s10  }
0x32: {  	s10 =	sld [smem:$0x3FB7];
	_ =	sdelay $0x3  }
0x33: {  	p0 =	seq.s32 s10, $0x1;
	s10 =	sld [smem:$0x3FB9];
	_ =	sdelay $0x3  }
0x34: {  	[smem:$0x3FB9] =	sst s10  }
0x35: {  	s10 =	sld [smem:$0x3FB8];
	_ =	sdelay $0x3  }
0x36: {  	p1 =	seq.s32 s10, $0x1;
	s10 =	sld [smem:$0x3FB9];
	_ =	sdelay $0x3  }
0x37: {  	[smem:$0x3FB9] =	sst s10  }
0x38: {  	s10 =	sld [smem:$0x3FBA]  }
0x39: {  	_ = 	snop;
	(pc) =	sbr.ind lr, $3  }
0x3a: {  	_ = 	snop  }
0x3b: {  	_ = 	snop  }
0x3c: {  	p2 =	seq.s32 s10, $0x1;
	s10 =	sld [smem:$0x3FB9]  }
0x3d: {  	_ =	shalt  }
0x3e: {  	_ =	shalt  }
0x3f: {  	_ =	shalt  }
0x40: {  	_ =	shalt  }
0x41: {  	_ =	shalt  }
0x42: {  	_ =	shalt  }
0x43: {  	_ =	shalt  }
0x44: {  	_ =	shalt  }
0x45: {  	_ =	shalt  }
0x46: {  	_ =	shalt  }
0x47: {  	_ =	shalt  }
0x48: {  	_ =	shalt  }
0x49: {  	_ =	shalt  }
0x4a: {  	_ =	shalt  }
0x4b: {  	_ =	shalt  }
0x4c: {  	_ =	shalt  }
0x4d: {  	_ =	shalt  }
0x4e: {  	_ =	shalt  }
0x4f: {  	_ =	shalt  }
0x50: {  	_ =	shalt  }
0x51: {  	_ =	shalt  }
0x52: {  	_ =	shalt  }
0x53: {  	_ =	shalt  }
0x54: {  	_ =	shalt  }
0x55: {  	_ =	shalt  }
0x56: {  	_ =	shalt  }
0x57: {  	_ =	shalt  }
0x58: {  	_ =	shalt  }
0x59: {  	_ =	shalt  }
0x5a: {  	_ =	shalt  }
0x5b: {  	_ =	shalt  }
0x5c: {  	_ =	shalt  }
0x5d: {  	_ =	shalt  }
0x5e: {  	_ =	shalt  }
0x5f: {  	_ =	shalt  }
0x60: {  	_ =	shalt  }
0x61: {  	_ =	shalt  }
0x62: {  	_ =	shalt  }
0x63: {  	_ =	shalt  }
0x64: {  	_ =	shalt  }
0x65: {  	_ =	shalt  }
0x66: {  	_ =	shalt  }
0x67: {  	_ =	shalt  }
0x68: {  	_ =	shalt  }
0x69: {  	_ =	shalt  }
0x6a: {  	_ =	shalt  }
0x6b: {  	_ =	shalt  }
0x6c: {  	_ =	shalt  }
0x6d: {  	_ =	shalt  }
0x6e: {  	_ =	shalt  }
0x6f: {  	_ =	shalt  }
0x70: {  	_ =	shalt  }
0x71: {  	_ =	shalt  }
0x72: {  	_ =	shalt  }
0x73: {  	_ =	shalt  }
0x74: {  	_ =	shalt  }
0x75: {  	_ =	shalt  }
0x76: {  	_ =	shalt  }
0x77: {  	_ =	shalt  }
0x78: {  	_ =	shalt  }
0x79: {  	_ =	shalt  }
0x7a: {  	_ =	shalt  }
0x7b: {  	_ =	shalt  }
0x7c: {  	_ =	shalt  }
0x7d: {  	_ =	shalt  }
0x7e: {  	_ =	shalt  }
0x7f: {  	_ =	shalt  }
0x80: {  	_ =	shalt  }
0x81: {  	_ =	shalt  }
0x82: {  	_ =	shalt  }
0x83: {  	_ =	shalt  }
0x84: {  	_ =	shalt  }
0x85: {  	_ =	shalt  }
0x86: {  	_ =	shalt  }
0x87: {  	_ =	shalt  }
.Lfunc_end0:
.L_simem_size_0:
called_computation_lowered:
.L_overlay_start_0:
0x88: {  	s2 =	sld [smem:$0x3FD9]  }
0x89: {  	s3 =	sld [smem:$0x3FFE];
	_ =	sdelay $0x1  }
0x8a: {  	s1 =	srdreg.scid  }
0x8b: {  	s0 =	sand.u32 $0x1, s1  }
0x8c: {  	s17 =	sshll.u32 s0, $0xA;
	s2 =	sadd.s32 s3, s2  }
0x8d: {  	s2 =	sadd.s32 s2, s17  }
0x8e: {  	[smem:$0x3FC5] =	sst s2  }
0x8f: {  	_ = 	snop  }
0x90: {  	s2 =	sld [smem:$0x3FC9]  }
0x91: {  	s18 =	sld [smem:$0x3FD0];
	(tm) =	ssettm $0x1  }
0x92: {  	s4 =	sld [smem:$0x3FFB];
	_ =	sdelay $0x3  }
0x93: {  	_ =	strace s4  }
0x94: {  	s4 =	sld [smem:$0x3FFC];
	_ =	sdelay $0x3  }
0x95: {  	_ =	strace s4  }
0x96: {  	s4 =	sld [smem:$0x3FFD];
	_ =	sdelay $0x3  }
0x97: {  	_ =	strace s4  }
0x98: {  	_ =	strace $0x8FFFFFFF  }
0x99: {  	s19 =	sld [smem:$0x3FDB];
	_ =	sdelay $0x1  }
0x9a: {  	s5 =	simm.s32 $_scs_section_size  }
0x9b: {  	s6 =	simm.s32 $_size__tile_overlayer_lowered;
	s7 =	simm.s32 $_tile_overlayer_lowered  }
0x9c: {  	s22 =	simm.s32 $0x1BFF;
	s21 =	sshll.u32 s7, $0x1;
	s4 =	sadd.s32 s5, s19  }
0x9d: {  	s8 =	simm.s32 $0x0;
	s20 =	sshll.u32 s6, $0x1;
	s6 =	sadd.s32 s21, s4  }
0x9e: {  	[timem:s8], [sflag:s22] =	dma.local [hbm:s6], s20  }
0x9f: {  	_ =	swait.ge [sflag:s22], s20  }
0xa0: {  	s5 =	ssub.s32 $0x0, s20;
	[sflag:s22] =	ssyncset.done $0x0  }
0xa1: {  	[sflag:s22] =	ssyncadd.s32 s5;
	_ =	sdelay $0x1  }
0xa2: {  	s23 =	simm.s32 $0x1B8B  }
0xa3: {  	_ =	swait.ge [sflag:s23], $0x1  }
0xa4: {  	[sflag:s23] =	ssyncset.done $0x0  }
0xa5: {  	s25 =	simm.s32 $0x1B8E;
	s24 =	sld [smem:$0x3FFE];
	[sflag:s23] =	ssyncadd.s32 $0xFFFFFFFF  }
0xa6: {  	s26 =	simm.s32 $execute0_lowered;
	[smem:$0x3FD2] =	sst s25  }
0xa7: {  	s6 =	sshll.u32 s26, $0x1;
	_ =	strace $0x80000046;
	[dreg:$0x1] =	wrdreg $0xFFFFFFFF  }
0xa8: {  	s28 =	simm.s32 $_size_execute0_lowered;
	s4 =	sadd.s32 s4, s6;
	[dreg:$0x0] =	wrdreg $0x0  }
0xa9: {  	s6 =	sshll.u32 s28, $0x1;
	[dreg:$0x2] =	wrdreg s4  }
0xaa: {  	[dreg:$0x3] =	wrdreg s6  }
0xab: {  	[dreg:$0x4] =	wrdreg $0xC0  }
0xac: {  	_ =	task [dreg:s8], $0x5FFFF  }
0xad: {  	[dreg:$0x1] =	wrdreg $0xFFFFFFFF  }
0xae: {  	[dreg:$0x0] =	wrdreg $0x60  }
0xaf: {  	[dreg:$0x2] =	wrdreg s2  }
0xb0: {  	[dreg:$0x3] =	wrdreg s24  }
0xb1: {  	[dreg:$0x4] =	wrdreg s18  }
0xb2: {  	[dreg:$0x5] =	wrdreg $0x9  }
0xb3: {  	_ =	task.clear_ibuf [dreg:s8], $0x6FFFF;
	_ =	strace $0x90000046  }
0xb4: {  	s29 =	simm.s32 $0x9;
	_ =	strace $0x80000048  }
0xb5: {  	_ =	swait.ge [sflag:s29], $0x1  }
0xb6: {  	[sflag:s29] =	ssyncadd.s32 $0xFFFFFFFF  }
0xb7: {  	_ =	strace $0x90000048  }
0xb8: {  	_ =	sfence  }
0xb9: {  	s30 =	sld [smem:$0x0];
	_ =	sdelay $0x2  }
0xba: {  	s31 =	sshll.u32 s1, $0xD;
	s1 =	sshrl.u32 s1, $0x2  }
0xbb: {  	s3 =	sand.u32 $0x4000, s31;
	s1 =	sadd.s32 s1, s30  }
0xbc: {  	s0 =	sor.u32 s3, s0;
	s1 =	sshll.u32 s1, $0x11  }
0xbd: {  	s0 =	sor.u32 s1, s0  }
0xbe: {  	s0 =	sadd.s32 $0x8F2B, s0  }
0xbf: {  	[sflag:s0] =	ssyncadd.remote.s32 $0x1  }
0xc0: {  	_ =	sfence.sel $0xFFFF  }
0xc1: {  	[dreg:$0x0] =	wrdreg $0xFFFFFFFF;
	(pc) =	sbr.abs _section_cstart, $3  }
0xc2: {  	[dreg:$0x1] =	wrdreg $0xFFFFFFFF  }
0xc3: {  	_ =	task.clear_ibuf [dreg:s8], $0x2FFFF;
	_ =	strace $0x9FFFFFFF  }
0xc4: {  	(tm) =	ssettm $0x7FFFFFFF  }
0xc5: {  	_ =	shalt  }
tec
execute0_lowered:
.L_overlay_start_1:
0x0: {  	(tag) =	ssettag $0x1  }
0x1: {  	s0 =	rddreg [dreg:$0x0]  }
0x2: {  	s1 =	rddreg [dreg:$0x1]  }
0x3: {  	s2 =	rddreg [dreg:$0x2];
	s4 =	srdreg.scid;
	s3 =	simm.s32 $0x0  }
0x4: {  	s6 =	stileid.u32;
	s11 =	simm.s32 $0x7;
	s12 =	simm.s32 $0x80  }
0x5: {  	s14 =	simm.s32 $0x600;
	s16 =	simm.s32 $0x8600;
	s18 =	simm.s32 $0x4600  }
0x6: {  	s20 =	simm.s32 $0xC600;
	s21 =	simm.s32 $0x1;
	s22 =	simm.s32 $0x3  }
0x7: {  	s23 =	simm.s32 $0x10600;
	s28 =	simm.s32 $0x2;
	s29 =	simm.s32 $0x4  }
0x8: {  	s30 =	simm.s32 $0x14600;
	s31 =	simm.s32 $0x6;
	s13 =	simm.s32 $0x0  }
0x9: {  	s5 =	sand.u32 $0x1, s4;
	[smem:$0x7FF] =	sst s3;
	s24 =	sshll.u32 s6, $0xA  }
0xa: {  	s4 =	sadd.s32 $0x400, s1;
	s25 =	sshll.u32 s5, $0x9;
	s5 =	ssub.s32 $0x2, s5  }
0xb: {  	_ =	strace $0x80000047;
	s6 =	sor.u32 s25, s24;
	s26 =	sshrl.u32 s5, $0x1  }
0xc: {  	s24 =	simm.s32 $0x5;
	s25 =	simm.s32 $0x300;
	s7 =	sshll.u32 s6, $0x4  }
0xd: {  	s6 =	sshrl.u32 s6, $0x3;
	s10 =	ssub.s32 s5, s26;
	s26 =	simm.s32 $0x500  }
0xe: {  	s1 =	sadd.s32 s7, s1;
	s5 =	sadd.s32 s0, s6;
	s10 =	smax.u32 s10, $0x1  }
0xf: {  	s0 =	simm.s32 $0x380;
	s6 =	sadd.s32 $0x4200, s1;
	s7 =	sadd.s32 $0x4A00, s1  }
0x10: {  	s8 =	sadd.s32 $0x5200, s1;
	s9 =	sadd.s32 $0x5A00, s1;
	s1 =	simm.s32 $0x580  }
.LBB2_1:
0x11: {  	[tilespmem:s3], [sflag:$0x7] =	stream.linear.gather [hbm4b:s5+s3], $0x200, $0x38;
	[tilespmem:$0x18600] =	vst v63  }
0x12: {  	_ =	swait.ge [sflag:s11], $0x200  }
0x13: {  	[sflag:s11] =	ssyncset.done $0x0  }
0x14: {  	[sflag:s11] =	ssyncadd.s32 $0xFFFFFE00  }
0x15: {  	v0 =	vld [tilespmem:$0x0];
	_ =	sdelay $0x1  }
0x16: {  	v1 =	vld [tilespmem:$0x10];
	_ =	sdelay $0x1  }
0x17: {  	v2 =	vld [tilespmem:$0x20]  }
0x18: {  	v3 =	vshrl.u32 v0, $0xA  }
0x19: {  	v0 =	vand.u32 $0x3FF, v0;
	[tilespmem:$0x200] =	vst v3;
	v3 =	vld [tilespmem:$0x30]  }
0x1a: {  	[tilespmem:$0x400] =	vst v0;
	v0 =	vshrl.u32 v1, $0xA  }
0x1b: {  	[tilespmem:$0x210] =	vst v0;
	v0 =	vand.u32 $0x3FF, v1;
	v1 =	vld [tilespmem:$0x40]  }
0x1c: {  	[tilespmem:$0x410] =	vst v0;
	v0 =	vshrl.u32 v2, $0xA  }
0x1d: {  	[tilespmem:$0x220] =	vst v0;
	v0 =	vand.u32 $0x3FF, v2;
	v2 =	vld [tilespmem:$0x50]  }
0x1e: {  	[tilespmem:$0x420] =	vst v0;
	v0 =	vshrl.u32 v3, $0xA  }
0x1f: {  	[tilespmem:$0x230] =	vst v0;
	v0 =	vand.u32 $0x3FF, v3;
	v3 =	vld [tilespmem:$0x60]  }
0x20: {  	[tilespmem:$0x430] =	vst v0;
	v0 =	vshrl.u32 v1, $0xA  }
0x21: {  	[tilespmem:$0x240] =	vst v0;
	v0 =	vand.u32 $0x3FF, v1;
	v1 =	vld [tilespmem:$0x70]  }
0x22: {  	[tilespmem:$0x440] =	vst v0;
	v0 =	vshrl.u32 v2, $0xA  }
0x23: {  	[tilespmem:$0x250] =	vst v0;
	v0 =	vand.u32 $0x3FF, v2  }
0x24: {  	[tilespmem:$0x450] =	vst v0;
	v0 =	vshrl.u32 v3, $0xA  }
0x25: {  	[tilespmem:$0x260] =	vst v0;
	v0 =	vand.u32 $0x3FF, v3  }
0x26: {  	[tilespmem:$0x460] =	vst v0;
	v0 =	vshrl.u32 v1, $0xA  }
0x27: {  	[tilespmem:$0x270] =	vst v0;
	v0 =	vand.u32 $0x3FF, v1  }
0x28: {  	s15 =	simm.s32 $0x200;
	[tilespmem:$0x470] =	vst v0  }
0x29: {  	[tilespmem:s14], [sflag:$0x1] =	stream.indirect.gather [hbm4b:s4+s12], $0x80, s15, s12, $0xb8;
	[tilespmem:$0x18600] =	vst v63  }
0x2a: {  	s19 =	simm.s32 $0x400  }
0x2b: {  	[tilespmem:s16], [sflag:$0x3] =	stream.indirect.gather [hbm4b:s2+s12], $0x80, s19, s12, $0xb8;
	[tilespmem:$0x18600] =	vst v63  }
0x2c: {  	v0 =	vld [tilespmem:$0x80];
	_ =	sdelay $0x1  }
0x2d: {  	v1 =	vld [tilespmem:$0x90];
	_ =	sdelay $0x1  }
0x2e: {  	v2 =	vld [tilespmem:$0xA0]  }
0x2f: {  	v3 =	vshrl.u32 v0, $0xA  }
0x30: {  	v0 =	vand.u32 $0x3FF, v0;
	[tilespmem:$0x280] =	vst v3;
	v3 =	vld [tilespmem:$0xB0]  }
0x31: {  	[tilespmem:$0x480] =	vst v0;
	v0 =	vshrl.u32 v1, $0xA  }
0x32: {  	[tilespmem:$0x290] =	vst v0;
	v0 =	vand.u32 $0x3FF, v1;
	v1 =	vld [tilespmem:$0xC0]  }
0x33: {  	[tilespmem:$0x490] =	vst v0;
	v0 =	vshrl.u32 v2, $0xA  }
0x34: {  	[tilespmem:$0x2A0] =	vst v0;
	v0 =	vand.u32 $0x3FF, v2;
	v2 =	vld [tilespmem:$0xD0]  }
0x35: {  	[tilespmem:$0x4A0] =	vst v0;
	v0 =	vshrl.u32 v3, $0xA  }
0x36: {  	[tilespmem:$0x2B0] =	vst v0;
	v0 =	vand.u32 $0x3FF, v3;
	v3 =	vld [tilespmem:$0xE0]  }
0x37: {  	[tilespmem:$0x4B0] =	vst v0;
	v0 =	vshrl.u32 v1, $0xA  }
0x38: {  	[tilespmem:$0x2C0] =	vst v0;
	v0 =	vand.u32 $0x3FF, v1;
	v1 =	vld [tilespmem:$0xF0]  }
0x39: {  	[tilespmem:$0x4C0] =	vst v0;
	v0 =	vshrl.u32 v2, $0xA  }
0x3a: {  	[tilespmem:$0x2D0] =	vst v0;
	v0 =	vand.u32 $0x3FF, v2  }
0x3b: {  	[tilespmem:$0x4D0] =	vst v0;
	v0 =	vshrl.u32 v3, $0xA  }
0x3c: {  	[tilespmem:$0x2E0] =	vst v0;
	v0 =	vand.u32 $0x3FF, v3  }
0x3d: {  	[tilespmem:$0x4E0] =	vst v0;
	v0 =	vshrl.u32 v1, $0xA  }
0x3e: {  	[tilespmem:$0x2F0] =	vst v0;
	v0 =	vand.u32 $0x3FF, v1  }
0x3f: {  	s17 =	simm.s32 $0x280;
	[tilespmem:$0x4F0] =	vst v0  }
0x40: {  	[tilespmem:s18], [sflag:$0x2] =	stream.indirect.gather [hbm4b:s4+s12], $0x80, s17, s12, $0xb8;
	[tilespmem:$0x18600] =	vst v63  }
0x41: {  	s19 =	simm.s32 $0x480  }
0x42: {  	[tilespmem:s20], [sflag:$0x4] =	stream.indirect.gather [hbm4b:s2+s12], $0x80, s19, s12, $0xb8;
	[tilespmem:$0x18600] =	vst v63  }
0x43: {  	_ =	swait.ge [sflag:s21], $0x4000  }
0x44: {  	[sflag:s21] =	ssyncset.done $0x0  }
0x45: {  	[sflag:s21] =	ssyncadd.s32 $0xFFFFC000  }
0x46: {  	_ =	swait.ge [sflag:s22], $0x4000  }
0x47: {  	[sflag:s22] =	ssyncset.done $0x0  }
0x48: {  	s15 =	simm.s32 $0x0;
	[sflag:s22] =	ssyncadd.s32 $0xFFFFC000  }
0x49: {  	v2 =	vld [tilespmem:s15+$0x630]  }
0x4a: {  	v4 =	vld [tilespmem:s15+$0x8630]  }
0x4b: {  	v5 =	vld [tilespmem:s15+$0x600]  }
0x4c: {  	v6 =	vld [tilespmem:s15+$0x8600]  }
0x4d: {  	v1 =	vld [tilespmem:s15+$0x610]  }
0x4e: {  	v3 =	vld [tilespmem:s15+$0x8610]  }
0x4f: {  	v0 =	vld [tilespmem:s15+$0x620];
	v7 =	vmul.f32 v4, v2  }
0x50: {  	s17 =	simm.s32 $0x80;
	v4 =	vld [tilespmem:s15+$0x8620]  }
0x51: {  	s19 =	simm.s32 $0x400;
	v2 =	vld [tilespmem:s17+$0x630];
	v5 =	vmul.f32 v6, v5;
	[tilespmem:s15+$0x10630] =	vst v7  }
.LBB2_2:
0x52: {  	p0 =	sne.s32 s19, $0xFE00;
	v6 =	vld [tilespmem:s17+$0x8630]  }
0x53: {  	v7 =	vld [tilespmem:s17+$0x600];
	[tilespmem:s15+$0x10600] =	vst v5;
	v3 =	vmul.f32 v3, v1  }
0x54: {  	v5 =	vld [tilespmem:s17+$0x8600]  }
.Ltmp0:
0x55: {  	v1 =	vld [tilespmem:s17+$0x610];
	[tilespmem:s15+$0x10610] =	vst v3;
	v4 =	vmul.f32 v4, v0;
	(pc) =	sbr.rel @p0 .LBB2_2-.Ltmp0, $4  }
0x56: {  	v3 =	vld [tilespmem:s17+$0x8610]  }
0x57: {  	v0 =	vld [tilespmem:s17+$0x620];
	v6 =	vmul.f32 v6, v2;
	[tilespmem:s15+$0x10620] =	vst v4;
	s15 =	smov.u32 s17  }
0x58: {  	s17 =	sshra.s32 s19, $0x2;
	v4 =	vld [tilespmem:s15+$0x8620]  }
0x59: {  	s19 =	sadd.s32 $0x200, s19;
	v2 =	vld [tilespmem:s17+$0x630];
	v5 =	vmul.f32 v5, v7;
	[tilespmem:s15+$0x10630] =	vst v6  }
0x5a: {  	v6 =	vld [tilespmem:s17+$0x8630]  }
0x5b: {  	v7 =	vld [tilespmem:s17+$0x600];
	[tilespmem:s15+$0x10600] =	vst v5;
	v1 =	vmul.f32 v3, v1  }
0x5c: {  	v3 =	vld [tilespmem:s17+$0x8600]  }
0x5d: {  	v5 =	vld [tilespmem:s17+$0x610];
	[tilespmem:s15+$0x10610] =	vst v1;
	v0 =	vmul.f32 v4, v0  }
0x5e: {  	v1 =	vld [tilespmem:s17+$0x8610]  }
0x5f: {  	v4 =	vld [tilespmem:s17+$0x620];
	[tilespmem:s15+$0x10620] =	vst v0  }
0x60: {  	v0 =	vld [tilespmem:s17+$0x8620];
	_ =	sdelay $0x1  }
0x61: {  	v2 =	vmul.f32 v6, v2  }
0x62: {  	v3 =	vmul.f32 v3, v7  }
0x63: {  	[tilespmem:s17+$0x10630] =	vst v2;
	v1 =	vmul.f32 v1, v5  }
0x64: {  	[tilespmem:s17+$0x10600] =	vst v3;
	v0 =	vmul.f32 v0, v4  }
0x65: {  	[tilespmem:s17+$0x10610] =	vst v1  }
0x66: {  	s19 =	simm.s32 $0x0;
	[tilespmem:s17+$0x10620] =	vst v0  }
0x67: {  	[hbm4b:s6+s19] =	stream.linear.scatter [tilespmem:s23], [sflag:$0x5], $0x4000, $0x38;
	[tilespmem:$0x18600] =	vst v63  }
0x68: {  	_ =	swait.ge [sflag:s24], $0x4000  }
0x69: {  	[sflag:s24] =	ssyncset.done $0x0  }
0x6a: {  	[sflag:s24] =	ssyncadd.s32 $0xFFFFC000  }
0x6b: {  	v0 =	vld [tilespmem:$0x100];
	_ =	sdelay $0x1  }
0x6c: {  	v1 =	vld [tilespmem:$0x110];
	_ =	sdelay $0x1  }
0x6d: {  	v2 =	vld [tilespmem:$0x120]  }
0x6e: {  	v3 =	vshrl.u32 v0, $0xA  }
0x6f: {  	v0 =	vand.u32 $0x3FF, v0;
	[tilespmem:$0x300] =	vst v3;
	v3 =	vld [tilespmem:$0x130]  }
0x70: {  	[tilespmem:$0x500] =	vst v0;
	v0 =	vshrl.u32 v1, $0xA  }
0x71: {  	[tilespmem:$0x310] =	vst v0;
	v0 =	vand.u32 $0x3FF, v1;
	v1 =	vld [tilespmem:$0x140]  }
0x72: {  	[tilespmem:$0x510] =	vst v0;
	v0 =	vshrl.u32 v2, $0xA  }
0x73: {  	[tilespmem:$0x320] =	vst v0;
	v0 =	vand.u32 $0x3FF, v2;
	v2 =	vld [tilespmem:$0x150]  }
0x74: {  	[tilespmem:$0x520] =	vst v0;
	v0 =	vshrl.u32 v3, $0xA  }
0x75: {  	[tilespmem:$0x330] =	vst v0;
	v0 =	vand.u32 $0x3FF, v3;
	v3 =	vld [tilespmem:$0x160]  }
0x76: {  	[tilespmem:$0x530] =	vst v0;
	v0 =	vshrl.u32 v1, $0xA  }
0x77: {  	[tilespmem:$0x340] =	vst v0;
	v0 =	vand.u32 $0x3FF, v1;
	v1 =	vld [tilespmem:$0x170]  }
0x78: {  	[tilespmem:$0x540] =	vst v0;
	v0 =	vshrl.u32 v2, $0xA  }
0x79: {  	[tilespmem:$0x350] =	vst v0;
	v0 =	vand.u32 $0x3FF, v2  }
0x7a: {  	[tilespmem:$0x550] =	vst v0;
	v0 =	vshrl.u32 v3, $0xA  }
0x7b: {  	[tilespmem:$0x360] =	vst v0;
	v0 =	vand.u32 $0x3FF, v3  }
0x7c: {  	[tilespmem:$0x560] =	vst v0;
	v0 =	vshrl.u32 v1, $0xA  }
0x7d: {  	[tilespmem:$0x370] =	vst v0;
	v0 =	vand.u32 $0x3FF, v1  }
0x7e: {  	[tilespmem:$0x570] =	vst v0  }
0x7f: {  	[tilespmem:s14], [sflag:$0x1] =	stream.indirect.gather [hbm4b:s4+s12], $0x80, s25, s12, $0xb8;
	[tilespmem:$0x18600] =	vst v63  }
0x80: {  	_ = 	snop  }
0x81: {  	[tilespmem:s16], [sflag:$0x3] =	stream.indirect.gather [hbm4b:s2+s12], $0x80, s26, s12, $0xb8;
	[tilespmem:$0x18600] =	vst v63  }
0x82: {  	_ =	swait.ge [sflag:s28], $0x4000  }
0x83: {  	[sflag:s28] =	ssyncset.done $0x0  }
0x84: {  	[sflag:s28] =	ssyncadd.s32 $0xFFFFC000  }
0x85: {  	_ =	swait.ge [sflag:s29], $0x4000  }
0x86: {  	[sflag:s29] =	ssyncset.done $0x0  }
0x87: {  	s15 =	simm.s32 $0x0;
	[sflag:s29] =	ssyncadd.s32 $0xFFFFC000  }
0x88: {  	v2 =	vld [tilespmem:s15+$0x4630]  }
0x89: {  	v4 =	vld [tilespmem:s15+$0xC630]  }
0x8a: {  	v5 =	vld [tilespmem:s15+$0x4600]  }
0x8b: {  	v6 =	vld [tilespmem:s15+$0xC600]  }
0x8c: {  	v1 =	vld [tilespmem:s15+$0x4610]  }
0x8d: {  	v3 =	vld [tilespmem:s15+$0xC610]  }
0x8e: {  	v0 =	vld [tilespmem:s15+$0x4620];
	v7 =	vmul.f32 v4, v2  }
0x8f: {  	s17 =	simm.s32 $0x80;
	v4 =	vld [tilespmem:s15+$0xC620]  }
0x90: {  	s19 =	simm.s32 $0x400;
	v2 =	vld [tilespmem:s17+$0x4630];
	v5 =	vmul.f32 v6, v5;
	[tilespmem:s15+$0x14630] =	vst v7  }
.LBB2_4:
0x91: {  	p0 =	sne.s32 s19, $0xFE00;
	v6 =	vld [tilespmem:s17+$0xC630]  }
0x92: {  	v7 =	vld [tilespmem:s17+$0x4600];
	[tilespmem:s15+$0x14600] =	vst v5;
	v3 =	vmul.f32 v3, v1  }
0x93: {  	v5 =	vld [tilespmem:s17+$0xC600]  }
.Ltmp1:
0x94: {  	v1 =	vld [tilespmem:s17+$0x4610];
	[tilespmem:s15+$0x14610] =	vst v3;
	v4 =	vmul.f32 v4, v0;
	(pc) =	sbr.rel @p0 .LBB2_4-.Ltmp1, $4  }
0x95: {  	v3 =	vld [tilespmem:s17+$0xC610]  }
0x96: {  	v0 =	vld [tilespmem:s17+$0x4620];
	v6 =	vmul.f32 v6, v2;
	[tilespmem:s15+$0x14620] =	vst v4;
	s15 =	smov.u32 s17  }
0x97: {  	s17 =	sshra.s32 s19, $0x2;
	v4 =	vld [tilespmem:s15+$0xC620]  }
0x98: {  	s19 =	sadd.s32 $0x200, s19;
	v2 =	vld [tilespmem:s17+$0x4630];
	v5 =	vmul.f32 v5, v7;
	[tilespmem:s15+$0x14630] =	vst v6  }
0x99: {  	v6 =	vld [tilespmem:s17+$0xC630]  }
0x9a: {  	v7 =	vld [tilespmem:s17+$0x4600];
	[tilespmem:s15+$0x14600] =	vst v5;
	v1 =	vmul.f32 v3, v1  }
0x9b: {  	v3 =	vld [tilespmem:s17+$0xC600]  }
0x9c: {  	v5 =	vld [tilespmem:s17+$0x4610];
	[tilespmem:s15+$0x14610] =	vst v1;
	v0 =	vmul.f32 v4, v0  }
0x9d: {  	v1 =	vld [tilespmem:s17+$0xC610]  }
0x9e: {  	v4 =	vld [tilespmem:s17+$0x4620];
	[tilespmem:s15+$0x14620] =	vst v0  }
0x9f: {  	v0 =	vld [tilespmem:s17+$0xC620];
	_ =	sdelay $0x1  }
0xa0: {  	v2 =	vmul.f32 v6, v2  }
0xa1: {  	v3 =	vmul.f32 v3, v7  }
0xa2: {  	[tilespmem:s17+$0x14630] =	vst v2;
	v1 =	vmul.f32 v1, v5  }
0xa3: {  	[tilespmem:s17+$0x14600] =	vst v3;
	v0 =	vmul.f32 v0, v4  }
0xa4: {  	[tilespmem:s17+$0x14610] =	vst v1  }
0xa5: {  	s19 =	simm.s32 $0x0;
	[tilespmem:s17+$0x14620] =	vst v0  }
0xa6: {  	[hbm4b:s7+s19] =	stream.linear.scatter [tilespmem:s30], [sflag:$0x6], $0x4000, $0x38;
	[tilespmem:$0x18600] =	vst v63  }
0xa7: {  	_ =	swait.ge [sflag:s31], $0x4000  }
0xa8: {  	[sflag:s31] =	ssyncset.done $0x0  }
0xa9: {  	[sflag:s31] =	ssyncadd.s32 $0xFFFFC000  }
0xaa: {  	v0 =	vld [tilespmem:$0x180];
	_ =	sdelay $0x1  }
0xab: {  	v1 =	vld [tilespmem:$0x190];
	_ =	sdelay $0x1  }
0xac: {  	v2 =	vld [tilespmem:$0x1A0]  }
0xad: {  	v3 =	vshrl.u32 v0, $0xA  }
0xae: {  	v0 =	vand.u32 $0x3FF, v0;
	[tilespmem:$0x380] =	vst v3;
	v3 =	vld [tilespmem:$0x1B0]  }
0xaf: {  	[tilespmem:$0x580] =	vst v0;
	v0 =	vshrl.u32 v1, $0xA  }
0xb0: {  	[tilespmem:$0x390] =	vst v0;
	v0 =	vand.u32 $0x3FF, v1;
	v1 =	vld [tilespmem:$0x1C0]  }
0xb1: {  	[tilespmem:$0x590] =	vst v0;
	v0 =	vshrl.u32 v2, $0xA  }
0xb2: {  	[tilespmem:$0x3A0] =	vst v0;
	v0 =	vand.u32 $0x3FF, v2;
	v2 =	vld [tilespmem:$0x1D0]  }
0xb3: {  	[tilespmem:$0x5A0] =	vst v0;
	v0 =	vshrl.u32 v3, $0xA  }
0xb4: {  	[tilespmem:$0x3B0] =	vst v0;
	v0 =	vand.u32 $0x3FF, v3;
	v3 =	vld [tilespmem:$0x1E0]  }
0xb5: {  	[tilespmem:$0x5B0] =	vst v0;
	v0 =	vshrl.u32 v1, $0xA  }
0xb6: {  	[tilespmem:$0x3C0] =	vst v0;
	v0 =	vand.u32 $0x3FF, v1;
	v1 =	vld [tilespmem:$0x1F0]  }
0xb7: {  	[tilespmem:$0x5C0] =	vst v0;
	v0 =	vshrl.u32 v2, $0xA  }
0xb8: {  	[tilespmem:$0x3D0] =	vst v0;
	v0 =	vand.u32 $0x3FF, v2  }
0xb9: {  	[tilespmem:$0x5D0] =	vst v0;
	v0 =	vshrl.u32 v3, $0xA  }
0xba: {  	[tilespmem:$0x3E0] =	vst v0;
	v0 =	vand.u32 $0x3FF, v3  }
0xbb: {  	[tilespmem:$0x5E0] =	vst v0;
	v0 =	vshrl.u32 v1, $0xA  }
0xbc: {  	[tilespmem:$0x3F0] =	vst v0;
	v0 =	vand.u32 $0x3FF, v1  }
0xbd: {  	[tilespmem:$0x5F0] =	vst v0  }
0xbe: {  	[tilespmem:s18], [sflag:$0x2] =	stream.indirect.gather [hbm4b:s4+s12], $0x80, s0, s12, $0xb8;
	[tilespmem:$0x18600] =	vst v63  }
0xbf: {  	_ = 	snop  }
0xc0: {  	[tilespmem:s20], [sflag:$0x4] =	stream.indirect.gather [hbm4b:s2+s12], $0x80, s1, s12, $0xb8;
	[tilespmem:$0x18600] =	vst v63  }
0xc1: {  	_ =	swait.ge [sflag:s21], $0x4000  }
0xc2: {  	[sflag:s21] =	ssyncset.done $0x0  }
0xc3: {  	[sflag:s21] =	ssyncadd.s32 $0xFFFFC000  }
0xc4: {  	_ =	swait.ge [sflag:s22], $0x4000  }
0xc5: {  	[sflag:s22] =	ssyncset.done $0x0  }
0xc6: {  	s15 =	simm.s32 $0x0;
	[sflag:s22] =	ssyncadd.s32 $0xFFFFC000  }
0xc7: {  	v2 =	vld [tilespmem:s15+$0x630]  }
0xc8: {  	v4 =	vld [tilespmem:s15+$0x8630]  }
0xc9: {  	v5 =	vld [tilespmem:s15+$0x600]  }
0xca: {  	v6 =	vld [tilespmem:s15+$0x8600]  }
0xcb: {  	v1 =	vld [tilespmem:s15+$0x610]  }
0xcc: {  	v3 =	vld [tilespmem:s15+$0x8610]  }
0xcd: {  	v0 =	vld [tilespmem:s15+$0x620];
	v7 =	vmul.f32 v4, v2  }
0xce: {  	s17 =	simm.s32 $0x80;
	v4 =	vld [tilespmem:s15+$0x8620]  }
0xcf: {  	s19 =	simm.s32 $0x400;
	v2 =	vld [tilespmem:s17+$0x630];
	v5 =	vmul.f32 v6, v5;
	[tilespmem:s15+$0x10630] =	vst v7  }
.LBB2_6:
0xd0: {  	p0 =	sne.s32 s19, $0xFE00;
	v6 =	vld [tilespmem:s17+$0x8630]  }
0xd1: {  	v7 =	vld [tilespmem:s17+$0x600];
	[tilespmem:s15+$0x10600] =	vst v5;
	v3 =	vmul.f32 v3, v1  }
0xd2: {  	v5 =	vld [tilespmem:s17+$0x8600]  }
.Ltmp2:
0xd3: {  	v1 =	vld [tilespmem:s17+$0x610];
	[tilespmem:s15+$0x10610] =	vst v3;
	v4 =	vmul.f32 v4, v0;
	(pc) =	sbr.rel @p0 .LBB2_6-.Ltmp2, $4  }
0xd4: {  	v3 =	vld [tilespmem:s17+$0x8610]  }
0xd5: {  	v0 =	vld [tilespmem:s17+$0x620];
	v6 =	vmul.f32 v6, v2;
	[tilespmem:s15+$0x10620] =	vst v4;
	s15 =	smov.u32 s17  }
0xd6: {  	s17 =	sshra.s32 s19, $0x2;
	v4 =	vld [tilespmem:s15+$0x8620]  }
0xd7: {  	s19 =	sadd.s32 $0x200, s19;
	v2 =	vld [tilespmem:s17+$0x630];
	v5 =	vmul.f32 v5, v7;
	[tilespmem:s15+$0x10630] =	vst v6  }
0xd8: {  	v6 =	vld [tilespmem:s17+$0x8630]  }
0xd9: {  	v7 =	vld [tilespmem:s17+$0x600];
	[tilespmem:s15+$0x10600] =	vst v5;
	v1 =	vmul.f32 v3, v1  }
0xda: {  	v3 =	vld [tilespmem:s17+$0x8600]  }
0xdb: {  	v5 =	vld [tilespmem:s17+$0x610];
	[tilespmem:s15+$0x10610] =	vst v1;
	v0 =	vmul.f32 v4, v0  }
0xdc: {  	v1 =	vld [tilespmem:s17+$0x8610]  }
0xdd: {  	v4 =	vld [tilespmem:s17+$0x620];
	[tilespmem:s15+$0x10620] =	vst v0  }
0xde: {  	v0 =	vld [tilespmem:s17+$0x8620];
	_ =	sdelay $0x1  }
0xdf: {  	v2 =	vmul.f32 v6, v2  }
0xe0: {  	v3 =	vmul.f32 v3, v7  }
0xe1: {  	[tilespmem:s17+$0x10630] =	vst v2;
	v1 =	vmul.f32 v1, v5  }
0xe2: {  	[tilespmem:s17+$0x10600] =	vst v3;
	v0 =	vmul.f32 v0, v4  }
0xe3: {  	[tilespmem:s17+$0x10610] =	vst v1  }
0xe4: {  	s19 =	simm.s32 $0x0;
	[tilespmem:s17+$0x10620] =	vst v0  }
0xe5: {  	[hbm4b:s8+s19] =	stream.linear.scatter [tilespmem:s23], [sflag:$0x5], $0x4000, $0x38;
	[tilespmem:$0x18600] =	vst v63  }
0xe6: {  	_ =	swait.ge [sflag:s28], $0x4000  }
0xe7: {  	[sflag:s28] =	ssyncset.done $0x0  }
0xe8: {  	[sflag:s28] =	ssyncadd.s32 $0xFFFFC000  }
0xe9: {  	_ =	swait.ge [sflag:s29], $0x4000  }
0xea: {  	[sflag:s29] =	ssyncset.done $0x0  }
0xeb: {  	s15 =	simm.s32 $0x0;
	[sflag:s29] =	ssyncadd.s32 $0xFFFFC000  }
0xec: {  	v2 =	vld [tilespmem:s15+$0x4630]  }
0xed: {  	v4 =	vld [tilespmem:s15+$0xC630]  }
0xee: {  	v5 =	vld [tilespmem:s15+$0x4600]  }
0xef: {  	v6 =	vld [tilespmem:s15+$0xC600]  }
0xf0: {  	v1 =	vld [tilespmem:s15+$0x4610]  }
0xf1: {  	v3 =	vld [tilespmem:s15+$0xC610]  }
0xf2: {  	v0 =	vld [tilespmem:s15+$0x4620];
	v7 =	vmul.f32 v4, v2  }
0xf3: {  	s17 =	simm.s32 $0x80;
	v4 =	vld [tilespmem:s15+$0xC620]  }
0xf4: {  	s19 =	simm.s32 $0x400;
	v2 =	vld [tilespmem:s17+$0x4630];
	v5 =	vmul.f32 v6, v5;
	[tilespmem:s15+$0x14630] =	vst v7  }
.LBB2_8:
0xf5: {  	p0 =	sne.s32 s19, $0xFE00;
	v6 =	vld [tilespmem:s17+$0xC630]  }
0xf6: {  	v7 =	vld [tilespmem:s17+$0x4600];
	[tilespmem:s15+$0x14600] =	vst v5;
	v3 =	vmul.f32 v3, v1  }
0xf7: {  	v5 =	vld [tilespmem:s17+$0xC600]  }
.Ltmp3:
0xf8: {  	v1 =	vld [tilespmem:s17+$0x4610];
	[tilespmem:s15+$0x14610] =	vst v3;
	v4 =	vmul.f32 v4, v0;
	(pc) =	sbr.rel @p0 .LBB2_8-.Ltmp3, $4  }
0xf9: {  	v3 =	vld [tilespmem:s17+$0xC610]  }
0xfa: {  	v0 =	vld [tilespmem:s17+$0x4620];
	v6 =	vmul.f32 v6, v2;
	[tilespmem:s15+$0x14620] =	vst v4;
	s15 =	smov.u32 s17  }
0xfb: {  	s17 =	sshra.s32 s19, $0x2;
	v4 =	vld [tilespmem:s15+$0xC620]  }
0xfc: {  	s19 =	sadd.s32 $0x200, s19;
	v2 =	vld [tilespmem:s17+$0x4630];
	v5 =	vmul.f32 v5, v7;
	[tilespmem:s15+$0x14630] =	vst v6  }
0xfd: {  	v6 =	vld [tilespmem:s17+$0xC630]  }
0xfe: {  	v7 =	vld [tilespmem:s17+$0x4600];
	[tilespmem:s15+$0x14600] =	vst v5;
	v1 =	vmul.f32 v3, v1  }
0xff: {  	v62 =	vld [tilespmem:s17+$0xC600]  }
0x100: {  	v5 =	vld [tilespmem:s17+$0x4610];
	[tilespmem:s15+$0x14610] =	vst v1;
	v0 =	vmul.f32 v4, v0  }
0x101: {  	v1 =	vld [tilespmem:s17+$0xC610]  }
0x102: {  	v63 =	vld [tilespmem:s17+$0x4620];
	[tilespmem:s15+$0x14620] =	vst v0  }
0x103: {  	v0 =	vld [tilespmem:s17+$0xC620];
	_ =	sdelay $0x1  }
0x104: {  	v2 =	vmul.f32 v6, v2  }
0x105: {  	v3 =	vmul.f32 v62, v7  }
0x106: {  	[tilespmem:s17+$0x14630] =	vst v2;
	v1 =	vmul.f32 v1, v5  }
0x107: {  	[tilespmem:s17+$0x14600] =	vst v3;
	v0 =	vmul.f32 v0, v63  }
0x108: {  	[tilespmem:s17+$0x14610] =	vst v1  }
0x109: {  	s13 =	sadd.s32 $0x1, s13;
	[tilespmem:s17+$0x14620] =	vst v0  }
0x10a: {  	[hbm4b:s9+s3] =	stream.linear.scatter [tilespmem:s30], [sflag:$0x6], $0x4000, $0x38;
	[tilespmem:$0x18600] =	vst v63  }
0x10b: {  	p0 =	sne.s32 s13, s10;
	_ =	swait.ge [sflag:s24], $0x4000  }
.Ltmp4:
0x10c: {  	[sflag:s24] =	ssyncset.done $0x0;
	(pc) =	sbr.rel @p0 .LBB2_1-.Ltmp4, $4  }
0x10d: {  	[sflag:s24] =	ssyncadd.s32 $0xFFFFC000  }
0x10e: {  	_ =	swait.ge [sflag:s31], $0x4000  }
0x10f: {  	[sflag:s31] =	ssyncset.done $0x0  }
0x110: {  	[sflag:s31] =	ssyncadd.s32 $0xFFFFC000  }
0x111: {  	_ =	sfence.sel $0x180000  }
0x112: {  	[bflag:$0x0] =	sbarrier.arrive $0xFFFF  }
0x113: {  	_ =	strace $0x90000047  }
0x114: {  	s0 =	stileid.u32;
	[bflag:$0x2] =	sbarrier.arrive $0xFFFF  }
0x115: {  	p0 =	sne.s32 s0, $0x0;
	s0 =	rddreg [dreg:$0x3]  }
0x116: {  	s0 =	sadd.s32 @!p0 $0x100000, s0  }
0x117: {  	[sflag:s0] =	ssyncadd.tile.s32 @!p0 $0x1;
	_ =	shalt  }
.Lfunc_end2:
_tile_overlayer_lowered:
.L_overlay_start_2:
0x118: {  	(tag) =	ssettag $0x2  }
0x119: {  	s0 =	rddreg [dreg:$0x0];
	s2 =	stileid.u32  }
0x11a: {  	s1 =	rddreg [dreg:$0x1];
	p0 =	sne.s32 s2, $0x0  }
0x11b: {  	s3 =	rddreg [dreg:$0x2];
	[bflag:$0x3] =	sbarrier.arrive $0xFFFF;
	s2 =	simm.s32 @!p0 $0x1C07  }
0x11c: {  	[timem:s3], [sflag:s2] =	dma.local @!p0 [hbm:s0], s1  }
0x11d: {  	s0 =	simm.s32 @!p0 $0x7  }
0x11e: {  	_ =	swait.ge @!p0 [sflag:s0], s1  }
0x11f: {  	s1 =	ssub.s32 @!p0 $0x0, s1;
	[sflag:s0] =	ssyncset.done @!p0 $0x0  }
0x120: {  	[sflag:s0] =	ssyncadd.s32 @!p0 s1  }
0x121: {  	[bflag:$0x3] =	sbarrier.arrive $0xFFFF  }
0x122: {  	_ =	shalt  }

</sc_bundles>
